<compile_context>
chip_gen: v7x
topology: tpu7x:2x2x1
jax: 0.10.2.dev20260603
libtpu: 0.0.44.dev20260713+nightly
codegen_flags: <defaults>
</compile_context>

<pallas_src>
import functools

import jax
import jax.numpy as jnp
from jax import lax
from jax.experimental import pallas as pl
from jax.experimental.pallas import tpu as pltpu
from jax.experimental.pallas import tpu_sc as plsc

_NC = 2
_NS = 16
_CHUNK = 128


def _sc_scatter_partials(table, zeros_pad, src_f, dst_f, k0, k1,
                         stage_spmem, x=None, xbase=0, xrows=0):
    chunk = src_f.shape[1]
    n = table.shape[0]
    d = table.shape[1]
    n_pad = zeros_pad.shape[0]
    rps = n_pad // _NS
    ops = n // _NS
    lanes = 16
    x_path = x is not None

    out_type = jax.ShapeDtypeStruct((_NC, n_pad, d), jnp.float32)
    scratch = [
        pltpu.VMEM((k0, chunk), jnp.int32),
        pltpu.VMEM((k0, chunk), jnp.int32),
        pltpu.VMEM((2, chunk, d), jnp.float32),
        pltpu.VMEM_SHARED((n_pad, d), jnp.float32),
    ]
    if stage_spmem:
        scratch.append(pltpu.VMEM_SHARED((n, d), jnp.float32))
    if x_path:
        xsh = d.bit_length() - 1
        assert d == (1 << xsh) and xrows % chunk == 0
        scratch += [
            pltpu.VMEM((n,), jnp.float32),
            pltpu.VMEM((xrows, d), jnp.float32),
            pltpu.VMEM((xrows // chunk, chunk), jnp.int32),
        ]
    scratch += [pltpu.SemaphoreType.DMA, pltpu.SemaphoreType.DMA]

    @functools.partial(
        pl.kernel,
        out_type=out_type,
        mesh=plsc.VectorSubcoreMesh(core_axis_name="c", subcore_axis_name="s"),
        scratch_types=scratch,
        compiler_params=pltpu.CompilerParams(use_tc_tiling_on_sc=False,
                                             needs_layout_passes=False),
    )
    def sc_kernel(*args):
        it = iter(args)
        table_h = next(it)
        zeros_h = next(it)
        src_h = next(it)
        dst_h = next(it)
        if x_path:
            x_h = next(it)
            iot_h = next(it)
        out_h = next(it)
        src_v = next(it)
        dst_v = next(it)
        rows_v = next(it)
        acc_sh = next(it)
        tbl_sh = next(it) if stage_spmem else table_h
        if x_path:
            x_v = next(it)
            accx_v = next(it)
            iot_v = next(it)
        gsems = (next(it), next(it))

        c = lax.axis_index("c")
        s = lax.axis_index("s")
        base = lax.select(c == 0, s * k0, _NS * k0 + s * k1)
        if stage_spmem:
            pltpu.sync_copy(table_h.at[pl.ds(s * ops, ops)],
                            tbl_sh.at[pl.ds(s * ops, ops)])
        pltpu.sync_copy(zeros_h.at[pl.ds(s * rps, rps)],
                        acc_sh.at[pl.ds(s * rps, rps)])
        pltpu.sync_copy(src_h.at[pl.ds(base, k0)], src_v)
        pltpu.sync_copy(dst_h.at[pl.ds(base, k0)], dst_v)
        if x_path:
            pltpu.sync_copy(x_h, x_v)
            pltpu.sync_copy(zeros_h.at[pl.ds(0, xrows)], accx_v)
            pltpu.sync_copy(iot_h, iot_v)

        plsc.subcore_barrier()

        n_pairs = lax.select(c == 0, k0 // 2, k1 // 2)

        def issue(j, slot):
            return pltpu.async_copy(tbl_sh.at[src_v.at[j]], rows_v.at[slot],
                                    gsems[slot])

        def drain(j, slot):
            pltpu.make_async_copy(tbl_sh.at[src_v.at[j]], rows_v.at[slot],
                                  gsems[slot]).wait()
            pltpu.sync_copy(rows_v.at[slot], acc_sh.at[dst_v.at[j]], add=True)
            if x_path:
                for u in range(chunk // lanes):
                    sv = src_v[j, pl.ds(u * lanes, lanes)]
                    dv = dst_v[j, pl.ds(u * lanes, lanes)]
                    vals = plsc.load_gather(x_v, [sv])
                    plsc.addupdate_scatter(
                        accx_v, [lax.shift_right_logical(dv, xsh),
                                 lax.bitwise_and(dv, d - 1)], vals)

        issue(0, 0)

        def body(p, _):
            j0 = 2 * p
            issue(j0 + 1, 1)
            drain(j0, 0)

            @pl.when(p + 1 < n_pairs)
            def _():
                issue(j0 + 2, 0)

            drain(j0 + 1, 1)
            return 0

        lax.fori_loop(0, n_pairs, body, 0)
        if x_path:
            for j in range(xrows // chunk):
                pltpu.sync_copy(accx_v.at[pl.ds(j * chunk, chunk)],
                                acc_sh.at[iot_v.at[j]], add=True)
        plsc.subcore_barrier()
        pltpu.sync_copy(acc_sh.at[pl.ds(s * rps, rps)],
                        out_h.at[c, pl.ds(s * rps, rps)])
    if x_path:
        iota2 = (xbase + jnp.arange(xrows, dtype=jnp.int32)).reshape(
            -1, chunk)
        return sc_kernel(table, zeros_pad, src_f, dst_f, x, iota2)
    return sc_kernel(table, zeros_pad, src_f, dst_f)


def _round1_tc(x, a0, a1, static, eps2, g1x, g1s, gb1, g2, gb2,
               g3, gb3, n1d, n1s, nb1, n2, nb2, n3, nb3, block):
    n = x.shape[0]
    grid = n // block
    dyn = g3.shape[1]

    def body(x_r, a0_r, a1_r, st_r, eps_r, g1x_r, g1s_r,
             gb1_r, g2_r, gb2_r, g3_r, gb3_r, n1d_r, n1s_r, nb1_r, n2_r,
             nb2_r, n3_r, nb3_r, h_out, zs_out):
        e = 1.0 + eps_r[0, 0]
        zs = e * st_r[...] + a0_r[:, 0:64] + a1_r[:, 0:64]
        zx = e * x_r[...] + a0_r[:, 64:65] + a1_r[:, 64:65]
        zs_out[...] = zs
        a = jnp.maximum(
            zx * g1x_r[...]
            + jnp.dot(zs, g1s_r[...], preferred_element_type=jnp.float32)
            + gb1_r[...], 0.0)
        a = jnp.maximum(
            jnp.dot(a, g2_r[...], preferred_element_type=jnp.float32)
            + gb2_r[...], 0.0)
        hm = jnp.maximum(
            jnp.dot(a, g3_r[...], preferred_element_type=jnp.float32)
            + gb3_r[...], 0.0)
        b = jnp.maximum(
            jnp.dot(hm, n1d_r[...], preferred_element_type=jnp.float32)
            + jnp.dot(st_r[...], n1s_r[...],
                      preferred_element_type=jnp.float32)
            + nb1_r[...], 0.0)
        b = jnp.maximum(
            jnp.dot(b, n2_r[...], preferred_element_type=jnp.float32)
            + nb2_r[...], 0.0)
        h_out[...] = jnp.maximum(
            jnp.dot(b, n3_r[...], preferred_element_type=jnp.float32)
            + nb3_r[...], 0.0)

    def rows(shape):
        return pl.BlockSpec((block,) + shape[1:],
                            lambda i: (i,) + (0,) * (len(shape) - 1))

    def whole(arr):
        return pl.BlockSpec(arr.shape, lambda i: (0,) * arr.ndim)

    return pl.pallas_call(
        body,
        grid=(grid,),
        in_specs=[
            rows(x.shape), rows(a0.shape), rows(a1.shape),
            rows(static.shape),
            pl.BlockSpec(memory_space=pltpu.SMEM),
            whole(g1x), whole(g1s), whole(gb1), whole(g2), whole(gb2),
            whole(g3), whole(gb3), whole(n1d), whole(n1s), whole(nb1),
            whole(n2), whole(nb2), whole(n3), whole(nb3),
        ],
        out_specs=[
            pl.BlockSpec((block, dyn), lambda i: (i, 0)),
            pl.BlockSpec((block, 64), lambda i: (i, 0)),
        ],
        out_shape=[
            jax.ShapeDtypeStruct((n, dyn), jnp.float32),
            jax.ShapeDtypeStruct((n, 64), jnp.float32),
        ],
    )(x, a0, a1, static, eps2, g1x, g1s, gb1, g2, gb2, g3, gb3,
      n1d, n1s, nb1, n2, nb2, n3, nb3)


def _round2_pool_tc(h, a0, a1, zs, static, ids3, eps2, g1d, g1s, gb1, g2, gb2,
                    g3, gb3, n1d, n1s, nb1, n2, nb2, n3, nb3, lw, lb, block,
                    ngraph):
    n = h.shape[0]
    grid = n // block

    def body(h_r, a0_r, a1_r, zs_r, st_r, ids_r, eps_r, g1d_r, g1s_r, gb1_r,
             g2_r, gb2_r, g3_r, gb3_r, n1d_r, n1s_r, nb1_r, n2_r, nb2_r,
             n3_r, nb3_r, lw_r, lb_r, out_r, acc_r):
        i = pl.program_id(0)
        e = 1.0 + eps_r[0, 0]
        zd = e * h_r[...] + a0_r[...] + a1_r[...]
        a = jnp.maximum(
            jnp.dot(zd, g1d_r[...], preferred_element_type=jnp.float32)
            + jnp.dot(zs_r[...], g1s_r[...],
                      preferred_element_type=jnp.float32)
            + gb1_r[...], 0.0)
        a = jnp.maximum(
            jnp.dot(a, g2_r[...], preferred_element_type=jnp.float32)
            + gb2_r[...], 0.0)
        hm = jnp.maximum(
            jnp.dot(a, g3_r[...], preferred_element_type=jnp.float32)
            + gb3_r[...], 0.0)
        b = jnp.maximum(
            jnp.dot(hm, n1d_r[...], preferred_element_type=jnp.float32)
            + jnp.dot(st_r[...], n1s_r[...],
                      preferred_element_type=jnp.float32)
            + nb1_r[...], 0.0)
        b = jnp.maximum(
            jnp.dot(b, n2_r[...], preferred_element_type=jnp.float32)
            + nb2_r[...], 0.0)
        hout = jnp.maximum(
            jnp.dot(b, n3_r[...], preferred_element_type=jnp.float32)
            + nb3_r[...], 0.0)
        ids = ids_r[0]
        seg = lax.broadcasted_iota(jnp.int32, (ngraph, block), 0)
        onehot = jnp.where(seg == ids, 1.0, 0.0)
        part = jnp.dot(onehot, hout, preferred_element_type=jnp.float32)

        @pl.when(i == 0)
        def _():
            acc_r[...] = jnp.zeros_like(acc_r)

        acc_r[...] += part

        @pl.when(i == grid - 1)
        def _():
            out_r[...] = jnp.maximum(
                jnp.dot(acc_r[...], lw_r[...],
                        preferred_element_type=jnp.float32) + lb_r[...], 0.0)

    def rows(shape):
        return pl.BlockSpec((block,) + shape[1:],
                            lambda i: (i,) + (0,) * (len(shape) - 1))

    def whole(arr):
        return pl.BlockSpec(arr.shape, lambda i: (0,) * arr.ndim)

    return pl.pallas_call(
        body,
        grid=(grid,),
        in_specs=[
            rows(h.shape), rows(a0.shape), rows(a1.shape), rows(zs.shape),
            rows(static.shape),
            pl.BlockSpec((1, 1, block), lambda i: (i, 0, 0)),
            pl.BlockSpec(memory_space=pltpu.SMEM),
            whole(g1d), whole(g1s), whole(gb1), whole(g2), whole(gb2),
            whole(g3), whole(gb3), whole(n1d), whole(n1s), whole(nb1),
            whole(n2), whole(nb2), whole(n3), whole(nb3), whole(lw),
            whole(lb),
        ],
        out_specs=pl.BlockSpec((ngraph, 1), lambda i: (0, 0)),
        out_shape=jax.ShapeDtypeStruct((ngraph, 1), jnp.float32),
        scratch_shapes=[pltpu.VMEM((ngraph, 64), jnp.float32)],
    )(h, a0, a1, zs, static, ids3, eps2, g1d, g1s, gb1, g2, gb2, g3, gb3,
      n1d, n1s, nb1, n2, nb2, n3, nb3, lw, lb)


def kernel(x, feature_mtx_static, edge_index, batch_ids, eps,
           gin_W1, gin_b1, gin_W2, gin_b2, gin_W3, gin_b3,
           node_W1, node_b1, node_W2, node_b2, node_W3, node_b3,
           lin_W, lin_b):
    n, static_f = feature_mtx_static.shape
    e = edge_index.shape[1]
    dyn = gin_W3.shape[1]
    ngraph = 64

    n_chunks = -(-e // _CHUNK)
    kpair = -(-n_chunks // _NS)
    def split(share0):
        kk0 = max(4, min(4 * round(kpair * share0 / 4),
                         4 * (kpair // 4) - 4))
        kk1 = max(4, 4 * (-(-(kpair - kk0) // 4)))
        return kk0, kk1

    k0b, k1b = split(0.50)
    t_alloc = 17 * k0b + 15 * k1b
    e_alloc = t_alloc * _CHUNK
    n_pad = -(-(n + 1) // (_NS * 8)) * (_NS * 8)

    src = edge_index[0].astype(jnp.int32)
    dst = edge_index[1].astype(jnp.int32)
    src_f = jnp.concatenate(
        [src, jnp.zeros((e_alloc - e,), jnp.int32)]).reshape(-1, _CHUNK)
    dst_f = jnp.concatenate(
        [dst, jnp.full((e_alloc - e,), n, jnp.int32)]).reshape(-1, _CHUNK)

    d1 = static_f + 8
    table1 = jnp.concatenate(
        [feature_mtx_static, x,
         jnp.zeros((n, d1 - static_f - 1), jnp.float32)], axis=1)
    zeros1 = jnp.zeros((n_pad, d1), jnp.float32)
    zeros2 = jnp.zeros((n_pad, dyn), jnp.float32)
    agg1 = _sc_scatter_partials(table1, zeros1, src_f, dst_f, k0b, k1b,
                                stage_spmem=True)
    a0, a1 = agg1[0, :n], agg1[1, :n]

    eps2 = jnp.reshape(eps, (1, 1))
    b_ = lambda v: jnp.reshape(v, (1, -1))
    block = 2000

    h1, zs = _round1_tc(
        x, a0, a1, feature_mtx_static, eps2,
        gin_W1[0:1], gin_W1[dyn:], b_(gin_b1),
        gin_W2, b_(gin_b2), gin_W3, b_(gin_b3),
        node_W1[:dyn], node_W1[dyn:], b_(node_b1),
        node_W2, b_(node_b2), node_W3, b_(node_b3), block)

    agg2 = _sc_scatter_partials(h1, zeros2, src_f, dst_f, k0b, k1b,
                                stage_spmem=True)
    g0, g1 = agg2[0, :n], agg2[1, :n]

    ids3 = batch_ids.astype(jnp.int32).reshape(n // block, 1, block)
    out = _round2_pool_tc(
        h1, g0, g1, zs, feature_mtx_static, ids3, eps2,
        gin_W1[:dyn], gin_W1[dyn:], b_(gin_b1), gin_W2, b_(gin_b2),
        gin_W3, b_(gin_b3),
        node_W1[:dyn], node_W1[dyn:], b_(node_b1), node_W2, b_(node_b2),
        node_W3, b_(node_b3), lin_W, b_(lin_b), block, ngraph)
    return out

# --- scband reference (transcript-rebuilt; emitter-appended) ---
"""Pipeline reference for scband-model-class-36060545417507 (READ-ONLY COPY).

The authoritative reference and input builder live on the scoring server;
editing this copy changes nothing except your own understanding.
"""

import jax, jax.numpy as jnp
import numpy as np

N = 10000
E = 320000
DYN = 64
STATIC = 64
NF = DYN + STATIC
H = 256
NPROP = 2
NGRAPH = 64


def _dnn(h, W1, b1, W2, b2, W3, b3):
    h = jax.nn.relu(h @ W1 + b1)
    h = jax.nn.relu(h @ W2 + b2)
    return jax.nn.relu(h @ W3 + b3)


def setup_inputs(seed: int = 0) -> dict:
    key = jax.random.key(seed)
    ks = jax.random.split(key, 16)

    def w(k, shape):
        return jax.random.normal(k, shape, dtype=jnp.float32) * 0.05

    inp = {}
    inp["x"] = jax.random.normal(ks[0], (N, 1), dtype=jnp.float32)
    inp["feature_mtx_static"] = jax.random.normal(ks[1], (N, STATIC), dtype=jnp.float32)
    inp["edge_index"] = jax.random.randint(ks[2], (2, E), 0, N)
    inp["batch_ids"] = jnp.sort(jax.random.randint(ks[3], (N,), 0, NGRAPH))
    inp["eps"] = jnp.zeros((), dtype=jnp.float32)
    inp["gin_W1"] = w(ks[4], (NF, H)); inp["gin_b1"] = jnp.zeros((H,), jnp.float32)
    inp["gin_W2"] = w(ks[5], (H, H)); inp["gin_b2"] = jnp.zeros((H,), jnp.float32)
    inp["gin_W3"] = w(ks[6], (H, DYN)); inp["gin_b3"] = jnp.zeros((DYN,), jnp.float32)
    inp["node_W1"] = w(ks[7], (NF, H)); inp["node_b1"] = jnp.zeros((H,), jnp.float32)
    inp["node_W2"] = w(ks[8], (H, H)); inp["node_b2"] = jnp.zeros((H,), jnp.float32)
    inp["node_W3"] = w(ks[9], (H, DYN)); inp["node_b3"] = jnp.zeros((DYN,), jnp.float32)
    inp["lin_W"] = w(ks[10], (DYN, 1)); inp["lin_b"] = jnp.zeros((1,), jnp.float32)
    return inp


def reference(x, feature_mtx_static, edge_index, batch_ids, eps,
              gin_W1, gin_b1, gin_W2, gin_b2, gin_W3, gin_b3,
              node_W1, node_b1, node_W2, node_b2, node_W3, node_b3,
              lin_W, lin_b):
    src = edge_index[0]
    dst = edge_index[1]
    # pad dynamic features: hstack(x, zeros(N, DYN-1))
    h = jnp.concatenate([x, jnp.zeros((x.shape[0], DYN - 1), dtype=x.dtype)], axis=1)
    for _ in range(NPROP):
        hs = jnp.concatenate([h, feature_mtx_static], axis=1)  # addstatic
        # GINConv: nn((1+eps)*x_i + sum_{j in N(i)} x_j)
        agg = jnp.zeros_like(hs).at[dst].add(hs[src])
        z = (1.0 + eps) * hs + agg
        h = _dnn(z, gin_W1, gin_b1, gin_W2, gin_b2, gin_W3, gin_b3)
        hs2 = jnp.concatenate([h, feature_mtx_static], axis=1)  # addstatic
        h = _dnn(hs2, node_W1, node_b1, node_W2, node_b2, node_W3, node_b3)
    pooled = jax.ops.segment_sum(h, batch_ids, num_segments=NGRAPH)  # global_add_pool
    out = jax.nn.relu(pooled @ lin_W + lin_b)
    return out

if __name__ == "__main__":
    import jax
    _d = setup_inputs()
    print(jax.jit(kernel)(*tuple(_d.values())))

</pallas_src>

<mosaic_0001>
#map = affine_map<(d0, d1) -> (0, 0)>
#map1 = affine_map<(d0, d1) -> (0, 0, 0)>
module attributes {stable_mosaic.version = 14 : i64} {
  func.func @sc_kernel(%arg0: i32, %arg1: i32, %arg2: memref<10000x64xf32, #tpu.memory_space<hbm>>, %arg3: memref<10112x64xf32, #tpu.memory_space<hbm>>, %arg4: memref<2560x128xi32, #tpu.memory_space<hbm>>, %arg5: memref<2560x128xi32, #tpu.memory_space<hbm>>, %arg6: memref<2x10112x64xf32, #tpu.memory_space<hbm>>, %arg7: memref<80x128xi32, #tpu.memory_space<vmem>>, %arg8: memref<80x128xi32, #tpu.memory_space<vmem>>, %arg9: memref<2x128x64xf32, #tpu.memory_space<vmem>>, %arg10: memref<10112x64xf32, #tpu.memory_space<vmem_shared>>, %arg11: memref<10000x64xf32, #tpu.memory_space<vmem_shared>>, %arg12: memref<!tpu.dma_semaphore, #tpu.memory_space<semaphore_mem>>, %arg13: memref<!tpu.dma_semaphore, #tpu.memory_space<semaphore_mem>>) attributes {dimension_semantics = [#tpu.dimension_semantics<core_parallel>, #tpu.dimension_semantics<subcore_parallel>], iteration_bounds = array<i64: 2, 16>, scalar_prefetch = 0 : i64, scratch_operands = 7 : i64, tpu.core_type = #tpu.core_type<sc_vector_subcore>, window_params = [{transform_indices = #map}, {transform_indices = #map}, {transform_indices = #map}, {transform_indices = #map}, {transform_indices = #map1}]} {
    %eq3A = arith.constant 0 : i32
    %eq3A_0 = arith.cmpi eq, %arg0, %eq3A : i32
    %mul3A = arith.constant 80 : i32
    %mul3A_1 = arith.muli %arg1, %mul3A : i32
    %mul3A_2 = arith.constant 80 : i32
    %mul3A_3 = arith.muli %arg1, %mul3A_2 : i32
    %add3A = arith.constant 1280 : i32
    %add3A_4 = arith.addi %add3A, %mul3A_3 : i32
    %select_n3A = arith.select %eq3A_0, %mul3A_1, %add3A_4 : i32
    %mul3A_5 = arith.constant 625 : i32
    %mul3A_6 = arith.muli %arg1, %mul3A_5 : i32
    %mul3A_7 = arith.constant 625 : i32
    %mul3A_8 = arith.muli %arg1, %mul3A_7 : i32
    "tpu.region"() ({
      %run_scoped3A = tpu.sem_alloc : memref<!tpu.dma_semaphore, #tpu.memory_space<semaphore_mem>>
      %dma_start3A_45 = arith.constant 0 : i32
      %dma_start3A_46 = tpu.memref_slice %arg11[%mul3A_8, %dma_start3A_45] : memref<10000x64xf32, #tpu.memory_space<vmem_shared>> -> memref<625x64xf32, #tpu.memory_space<vmem_shared>>
      %dma_start3A_47 = arith.constant 0 : i32
      %dma_start3A_48 = tpu.memref_slice %arg2[%mul3A_6, %dma_start3A_47] : memref<10000x64xf32, #tpu.memory_space<hbm>> -> memref<625x64xf32, #tpu.memory_space<hbm>>
      tpu.enqueue_dma source(%dma_start3A_48 : memref<625x64xf32, #tpu.memory_space<hbm>>) target(%dma_start3A_46 : memref<625x64xf32, #tpu.memory_space<vmem_shared>>) target_semaphore(%run_scoped3A : memref<!tpu.dma_semaphore, #tpu.memory_space<semaphore_mem>>)
      %dma_wait3A = arith.constant 0 : i32
      %dma_wait3A_49 = tpu.memref_slice %arg11[%mul3A_8, %dma_wait3A] : memref<10000x64xf32, #tpu.memory_space<vmem_shared>> -> memref<625x64xf32, #tpu.memory_space<vmem_shared>>
      %dma_wait3A_50 = arith.constant 0 : i32
      %dma_wait3A_51 = tpu.memref_slice %arg2[%mul3A_6, %dma_wait3A_50] : memref<10000x64xf32, #tpu.memory_space<hbm>> -> memref<625x64xf32, #tpu.memory_space<hbm>>
      tpu.wait_dma2 semaphore(%run_scoped3A : memref<!tpu.dma_semaphore, #tpu.memory_space<semaphore_mem>>) src(%dma_wait3A_51 : memref<625x64xf32, #tpu.memory_space<hbm>>) dst(%dma_wait3A_49 : memref<625x64xf32, #tpu.memory_space<vmem_shared>>)
      tpu.yield
    }) : () -> ()
    %mul3A_9 = arith.constant 632 : i32
    %mul3A_10 = arith.muli %arg1, %mul3A_9 : i32
    %mul3A_11 = arith.constant 632 : i32
    %mul3A_12 = arith.muli %arg1, %mul3A_11 : i32
    "tpu.region"() ({
      %run_scoped3A = tpu.sem_alloc : memref<!tpu.dma_semaphore, #tpu.memory_space<semaphore_mem>>
      %dma_start3A_45 = arith.constant 0 : i32
      %dma_start3A_46 = tpu.memref_slice %arg10[%mul3A_12, %dma_start3A_45] : memref<10112x64xf32, #tpu.memory_space<vmem_shared>> -> memref<632x64xf32, #tpu.memory_space<vmem_shared>>
      %dma_start3A_47 = arith.constant 0 : i32
      %dma_start3A_48 = tpu.memref_slice %arg3[%mul3A_10, %dma_start3A_47] : memref<10112x64xf32, #tpu.memory_space<hbm>> -> memref<632x64xf32, #tpu.memory_space<hbm>>
      tpu.enqueue_dma source(%dma_start3A_48 : memref<632x64xf32, #tpu.memory_space<hbm>>) target(%dma_start3A_46 : memref<632x64xf32, #tpu.memory_space<vmem_shared>>) target_semaphore(%run_scoped3A : memref<!tpu.dma_semaphore, #tpu.memory_space<semaphore_mem>>)
      %dma_wait3A = arith.constant 0 : i32
      %dma_wait3A_49 = tpu.memref_slice %arg10[%mul3A_12, %dma_wait3A] : memref<10112x64xf32, #tpu.memory_space<vmem_shared>> -> memref<632x64xf32, #tpu.memory_space<vmem_shared>>
      %dma_wait3A_50 = arith.constant 0 : i32
      %dma_wait3A_51 = tpu.memref_slice %arg3[%mul3A_10, %dma_wait3A_50] : memref<10112x64xf32, #tpu.memory_space<hbm>> -> memref<632x64xf32, #tpu.memory_space<hbm>>
      tpu.wait_dma2 semaphore(%run_scoped3A : memref<!tpu.dma_semaphore, #tpu.memory_space<semaphore_mem>>) src(%dma_wait3A_51 : memref<632x64xf32, #tpu.memory_space<hbm>>) dst(%dma_wait3A_49 : memref<632x64xf32, #tpu.memory_space<vmem_shared>>)
      tpu.yield
    }) : () -> ()
    "tpu.region"() ({
      %run_scoped3A = tpu.sem_alloc : memref<!tpu.dma_semaphore, #tpu.memory_space<semaphore_mem>>
      %dma_start3A_45 = arith.constant 0 : i32
      %dma_start3A_46 = tpu.memref_slice %arg4[%select_n3A, %dma_start3A_45] : memref<2560x128xi32, #tpu.memory_space<hbm>> -> memref<80x128xi32, #tpu.memory_space<hbm>>
      %dma_start3A_47 = arith.constant 0 : i32
      %dma_start3A_48 = tpu.memref_slice %arg4[%select_n3A, %dma_start3A_47] : memref<2560x128xi32, #tpu.memory_space<hbm>> -> memref<80x128xi32, #tpu.memory_space<hbm>>
      tpu.enqueue_dma source(%dma_start3A_48 : memref<80x128xi32, #tpu.memory_space<hbm>>) target(%arg7 : memref<80x128xi32, #tpu.memory_space<vmem>>) target_semaphore(%run_scoped3A : memref<!tpu.dma_semaphore, #tpu.memory_space<semaphore_mem>>)
      %dma_wait3A = arith.constant 0 : i32
      %dma_wait3A_49 = tpu.memref_slice %arg4[%select_n3A, %dma_wait3A] : memref<2560x128xi32, #tpu.memory_space<hbm>> -> memref<80x128xi32, #tpu.memory_space<hbm>>
      %dma_wait3A_50 = arith.constant 0 : i32
      %dma_wait3A_51 = tpu.memref_slice %arg4[%select_n3A, %dma_wait3A_50] : memref<2560x128xi32, #tpu.memory_space<hbm>> -> memref<80x128xi32, #tpu.memory_space<hbm>>
      tpu.wait_dma2 semaphore(%run_scoped3A : memref<!tpu.dma_semaphore, #tpu.memory_space<semaphore_mem>>) src(%dma_wait3A_51 : memref<80x128xi32, #tpu.memory_space<hbm>>) dst(%arg7 : memref<80x128xi32, #tpu.memory_space<vmem>>)
      tpu.yield
    }) : () -> ()
    "tpu.region"() ({
      %run_scoped3A = tpu.sem_alloc : memref<!tpu.dma_semaphore, #tpu.memory_space<semaphore_mem>>
      %dma_start3A_45 = arith.constant 0 : i32
      %dma_start3A_46 = tpu.memref_slice %arg5[%select_n3A, %dma_start3A_45] : memref<2560x128xi32, #tpu.memory_space<hbm>> -> memref<80x128xi32, #tpu.memory_space<hbm>>
      %dma_start3A_47 = arith.constant 0 : i32
      %dma_start3A_48 = tpu.memref_slice %arg5[%select_n3A, %dma_start3A_47] : memref<2560x128xi32, #tpu.memory_space<hbm>> -> memref<80x128xi32, #tpu.memory_space<hbm>>
      tpu.enqueue_dma source(%dma_start3A_48 : memref<80x128xi32, #tpu.memory_space<hbm>>) target(%arg8 : memref<80x128xi32, #tpu.memory_space<vmem>>) target_semaphore(%run_scoped3A : memref<!tpu.dma_semaphore, #tpu.memory_space<semaphore_mem>>)
      %dma_wait3A = arith.constant 0 : i32
      %dma_wait3A_49 = tpu.memref_slice %arg5[%select_n3A, %dma_wait3A] : memref<2560x128xi32, #tpu.memory_space<hbm>> -> memref<80x128xi32, #tpu.memory_space<hbm>>
      %dma_wait3A_50 = arith.constant 0 : i32
      %dma_wait3A_51 = tpu.memref_slice %arg5[%select_n3A, %dma_wait3A_50] : memref<2560x128xi32, #tpu.memory_space<hbm>> -> memref<80x128xi32, #tpu.memory_space<hbm>>
      tpu.wait_dma2 semaphore(%run_scoped3A : memref<!tpu.dma_semaphore, #tpu.memory_space<semaphore_mem>>) src(%dma_wait3A_51 : memref<80x128xi32, #tpu.memory_space<hbm>>) dst(%arg8 : memref<80x128xi32, #tpu.memory_space<vmem>>)
      tpu.yield
    }) : () -> ()
    %barrier3A = arith.constant 0 : index
    tpu.barrier barrier_id(%barrier3A)
    %eq3A_13 = arith.constant 0 : i32
    %eq3A_14 = arith.cmpi eq, %arg0, %eq3A_13 : i32
    %select_n3A_15 = arith.constant 40 : i32
    %select_n3A_16 = arith.constant 40 : i32
    %select_n3A_17 = arith.select %eq3A_14, %select_n3A_16, %select_n3A_15 : i32
    %dma_start3A = arith.constant 0 : i32
    %dma_start3A_18 = arith.constant 0 : i32
    %dma_start3A_19 = arith.constant 0 : i32
    %dma_start3A_20 = arith.constant 0 : i32
    %dma_start3A_21 = tpu.memref_slice %arg9[%dma_start3A_18, %dma_start3A_19, %dma_start3A_20] : memref<2x128x64xf32, #tpu.memory_space<vmem>> -> memref<1x128x64xf32, #tpu.memory_space<vmem>>
    %dma_start3A_22 = tpu.memref_squeeze %dma_start3A_21 : memref<1x128x64xf32, #tpu.memory_space<vmem>> -> memref<128x64xf32, #tpu.memory_space<vmem>>
    %dma_start3A_23 = arith.constant 0 : i32
    %dma_start3A_24 = tpu.memref_slice %arg7[%dma_start3A, %dma_start3A_23] : memref<80x128xi32, #tpu.memory_space<vmem>> -> memref<1x128xi32, #tpu.memory_space<vmem>>
    %dma_start3A_25 = tpu.memref_squeeze %dma_start3A_24 : memref<1x128xi32, #tpu.memory_space<vmem>> -> memref<128xi32, #tpu.memory_space<vmem>>
    %dma_start3A_26 = arith.constant 0 : i32
    %dma_start3A_27 = arith.constant 0 : i32
    %dma_start3A_28 = tpu.memref_slice %arg11[%dma_start3A_26, %dma_start3A_27] : memref<10000x64xf32, #tpu.memory_space<vmem_shared>> -> memref<10000x64xf32, #tpu.memory_space<vmem_shared>>
    tpu.enqueue_indirect_dma source(%dma_start3A_28 : memref<10000x64xf32, #tpu.memory_space<vmem_shared>>) target(%dma_start3A_22 : memref<128x64xf32, #tpu.memory_space<vmem>>) offsets(%dma_start3A_25 : memref<128xi32, #tpu.memory_space<vmem>>) semaphore(%arg12 : memref<!tpu.dma_semaphore, #tpu.memory_space<semaphore_mem>>)
    %while3A = arith.constant 0 : i32
    %while3A_29 = arith.constant 0 : i32
    %while3A_30 = arith.subi %select_n3A_17, %while3A : i32
    %while3A_31 = arith.addi %while3A, %while3A_30 : i32
    %while3A_32 = arith.constant 1 : i32
    %while3A_33 = arith.divsi %while3A_30, %while3A_32 : i32
    %while3A_34 = arith.muli %while3A_33, %while3A_32 : i32
    %while3A_35 = arith.addi %while3A, %while3A_34 : i32
    %while3A_36 = arith.constant 1 : i32
    %while3A_37 = scf.for %while3A_45 = %while3A to %while3A_35 step %while3A_36 iter_args(%while3A_46 = %while3A_29) -> (i32)  : i32 {
      %mul3A_47 = arith.constant 2 : i32
      %mul3A_48 = arith.muli %mul3A_47, %while3A_45 : i32
      %add3A_49 = arith.constant 1 : i32
      %add3A_50 = arith.addi %mul3A_48, %add3A_49 : i32
      %dma_start3A_51 = arith.constant 1 : i32
      %dma_start3A_52 = arith.constant 0 : i32
      %dma_start3A_53 = arith.constant 0 : i32
      %dma_start3A_54 = tpu.memref_slice %arg9[%dma_start3A_51, %dma_start3A_52, %dma_start3A_53] : memref<2x128x64xf32, #tpu.memory_space<vmem>> -> memref<1x128x64xf32, #tpu.memory_space<vmem>>
      %dma_start3A_55 = tpu.memref_squeeze %dma_start3A_54 : memref<1x128x64xf32, #tpu.memory_space<vmem>> -> memref<128x64xf32, #tpu.memory_space<vmem>>
      %dma_start3A_56 = arith.constant 0 : i32
      %dma_start3A_57 = tpu.memref_slice %arg7[%add3A_50, %dma_start3A_56] : memref<80x128xi32, #tpu.memory_space<vmem>> -> memref<1x128xi32, #tpu.memory_space<vmem>>
      %dma_start3A_58 = tpu.memref_squeeze %dma_start3A_57 : memref<1x128xi32, #tpu.memory_space<vmem>> -> memref<128xi32, #tpu.memory_space<vmem>>
      %dma_start3A_59 = arith.constant 0 : i32
      %dma_start3A_60 = arith.constant 0 : i32
      %dma_start3A_61 = tpu.memref_slice %arg11[%dma_start3A_59, %dma_start3A_60] : memref<10000x64xf32, #tpu.memory_space<vmem_shared>> -> memref<10000x64xf32, #tpu.memory_space<vmem_shared>>
      tpu.enqueue_indirect_dma source(%dma_start3A_61 : memref<10000x64xf32, #tpu.memory_space<vmem_shared>>) target(%dma_start3A_55 : memref<128x64xf32, #tpu.memory_space<vmem>>) offsets(%dma_start3A_58 : memref<128xi32, #tpu.memory_space<vmem>>) semaphore(%arg13 : memref<!tpu.dma_semaphore, #tpu.memory_space<semaphore_mem>>)
      %dma_wait3A = arith.constant 0 : i32
      %dma_wait3A_62 = arith.constant 0 : i32
      %dma_wait3A_63 = arith.constant 0 : i32
      %dma_wait3A_64 = tpu.memref_slice %arg9[%dma_wait3A, %dma_wait3A_62, %dma_wait3A_63] : memref<2x128x64xf32, #tpu.memory_space<vmem>> -> memref<1x128x64xf32, #tpu.memory_space<vmem>>
      %dma_wait3A_65 = tpu.memref_squeeze %dma_wait3A_64 : memref<1x128x64xf32, #tpu.memory_space<vmem>> -> memref<128x64xf32, #tpu.memory_space<vmem>>
      %dma_wait3A_66 = arith.constant 0 : i32
      %dma_wait3A_67 = tpu.memref_slice %arg7[%mul3A_48, %dma_wait3A_66] : memref<80x128xi32, #tpu.memory_space<vmem>> -> memref<1x128xi32, #tpu.memory_space<vmem>>
      %dma_wait3A_68 = tpu.memref_squeeze %dma_wait3A_67 : memref<1x128xi32, #tpu.memory_space<vmem>> -> memref<128xi32, #tpu.memory_space<vmem>>
      %dma_wait3A_69 = arith.constant 0 : i32
      %dma_wait3A_70 = arith.constant 0 : i32
      %dma_wait3A_71 = tpu.memref_slice %arg11[%dma_wait3A_69, %dma_wait3A_70] : memref<10000x64xf32, #tpu.memory_space<vmem_shared>> -> memref<10000x64xf32, #tpu.memory_space<vmem_shared>>
      tpu.wait_indirect_dma semaphore(%arg12 : memref<!tpu.dma_semaphore, #tpu.memory_space<semaphore_mem>>) src(%dma_wait3A_71 : memref<10000x64xf32, #tpu.memory_space<vmem_shared>>) dst(%dma_wait3A_65 : memref<128x64xf32, #tpu.memory_space<vmem>>)
      %run_scoped3A = arith.constant 0 : i32
      "tpu.region"() ({
        %run_scoped3A_90 = tpu.sem_alloc : memref<!tpu.dma_semaphore, #tpu.memory_space<semaphore_mem>>
        %dma_start3A_91 = arith.constant 0 : i32
        %dma_start3A_92 = arith.constant 0 : i32
        %dma_start3A_93 = tpu.memref_slice %arg9[%run_scoped3A, %dma_start3A_91, %dma_start3A_92] : memref<2x128x64xf32, #tpu.memory_space<vmem>> -> memref<1x128x64xf32, #tpu.memory_space<vmem>>
        %dma_start3A_94 = tpu.memref_squeeze %dma_start3A_93 : memref<1x128x64xf32, #tpu.memory_space<vmem>> -> memref<128x64xf32, #tpu.memory_space<vmem>>
        %dma_start3A_95 = arith.constant 0 : i32
        %dma_start3A_96 = tpu.memref_slice %arg8[%mul3A_48, %dma_start3A_95] : memref<80x128xi32, #tpu.memory_space<vmem>> -> memref<1x128xi32, #tpu.memory_space<vmem>>
        %dma_start3A_97 = tpu.memref_squeeze %dma_start3A_96 : memref<1x128xi32, #tpu.memory_space<vmem>> -> memref<128xi32, #tpu.memory_space<vmem>>
        %dma_start3A_98 = arith.constant 0 : i32
        %dma_start3A_99 = arith.constant 0 : i32
        %dma_start3A_100 = tpu.memref_slice %arg10[%dma_start3A_98, %dma_start3A_99] : memref<10112x64xf32, #tpu.memory_space<vmem_shared>> -> memref<10112x64xf32, #tpu.memory_space<vmem_shared>>
        tpu.enqueue_indirect_dma source(%dma_start3A_94 : memref<128x64xf32, #tpu.memory_space<vmem>>) target(%dma_start3A_100 : memref<10112x64xf32, #tpu.memory_space<vmem_shared>>) offsets(%dma_start3A_97 : memref<128xi32, #tpu.memory_space<vmem>>) semaphore(%run_scoped3A_90 : memref<!tpu.dma_semaphore, #tpu.memory_space<semaphore_mem>>) {add = true}
        %dma_wait3A_101 = arith.constant 0 : i32
        %dma_wait3A_102 = arith.constant 0 : i32
        %dma_wait3A_103 = tpu.memref_slice %arg9[%run_scoped3A, %dma_wait3A_101, %dma_wait3A_102] : memref<2x128x64xf32, #tpu.memory_space<vmem>> -> memref<1x128x64xf32, #tpu.memory_space<vmem>>
        %dma_wait3A_104 = tpu.memref_squeeze %dma_wait3A_103 : memref<1x128x64xf32, #tpu.memory_space<vmem>> -> memref<128x64xf32, #tpu.memory_space<vmem>>
        %dma_wait3A_105 = arith.constant 0 : i32
        %dma_wait3A_106 = tpu.memref_slice %arg8[%mul3A_48, %dma_wait3A_105] : memref<80x128xi32, #tpu.memory_space<vmem>> -> memref<1x128xi32, #tpu.memory_space<vmem>>
        %dma_wait3A_107 = tpu.memref_squeeze %dma_wait3A_106 : memref<1x128xi32, #tpu.memory_space<vmem>> -> memref<128xi32, #tpu.memory_space<vmem>>
        %dma_wait3A_108 = arith.constant 0 : i32
        %dma_wait3A_109 = arith.constant 0 : i32
        %dma_wait3A_110 = tpu.memref_slice %arg10[%dma_wait3A_108, %dma_wait3A_109] : memref<10112x64xf32, #tpu.memory_space<vmem_shared>> -> memref<10112x64xf32, #tpu.memory_space<vmem_shared>>
        tpu.wait_indirect_dma semaphore(%run_scoped3A_90 : memref<!tpu.dma_semaphore, #tpu.memory_space<semaphore_mem>>) src(%dma_wait3A_104 : memref<128x64xf32, #tpu.memory_space<vmem>>) dst(%dma_wait3A_110 : memref<10112x64xf32, #tpu.memory_space<vmem_shared>>)
        tpu.yield
      }) : () -> ()
      %add3A_72 = arith.constant 1 : i32
      %add3A_73 = arith.addi %while3A_45, %add3A_72 : i32
      %lt3A = arith.cmpi slt, %add3A_73, %select_n3A_17 : i32
      %convert_element_type3A = arith.extui %lt3A : i1 to i32
      %cond3A = arith.constant 0 : i32
      %cond3A_74 = arith.cmpi ne, %convert_element_type3A, %cond3A : i32
      scf.if %cond3A_74 {
        %add3A_90 = arith.constant 2 : i32
        %add3A_91 = arith.addi %mul3A_48, %add3A_90 : i32
        %dma_start3A_92 = arith.constant 0 : i32
        %dma_start3A_93 = arith.constant 0 : i32
        %dma_start3A_94 = arith.constant 0 : i32
        %dma_start3A_95 = tpu.memref_slice %arg9[%dma_start3A_92, %dma_start3A_93, %dma_start3A_94] : memref<2x128x64xf32, #tpu.memory_space<vmem>> -> memref<1x128x64xf32, #tpu.memory_space<vmem>>
        %dma_start3A_96 = tpu.memref_squeeze %dma_start3A_95 : memref<1x128x64xf32, #tpu.memory_space<vmem>> -> memref<128x64xf32, #tpu.memory_space<vmem>>
        %dma_start3A_97 = arith.constant 0 : i32
        %dma_start3A_98 = tpu.memref_slice %arg7[%add3A_91, %dma_start3A_97] : memref<80x128xi32, #tpu.memory_space<vmem>> -> memref<1x128xi32, #tpu.memory_space<vmem>>
        %dma_start3A_99 = tpu.memref_squeeze %dma_start3A_98 : memref<1x128xi32, #tpu.memory_space<vmem>> -> memref<128xi32, #tpu.memory_space<vmem>>
        %dma_start3A_100 = arith.constant 0 : i32
        %dma_start3A_101 = arith.constant 0 : i32
        %dma_start3A_102 = tpu.memref_slice %arg11[%dma_start3A_100, %dma_start3A_101] : memref<10000x64xf32, #tpu.memory_space<vmem_shared>> -> memref<10000x64xf32, #tpu.memory_space<vmem_shared>>
        tpu.enqueue_indirect_dma source(%dma_start3A_102 : memref<10000x64xf32, #tpu.memory_space<vmem_shared>>) target(%dma_start3A_96 : memref<128x64xf32, #tpu.memory_space<vmem>>) offsets(%dma_start3A_99 : memref<128xi32, #tpu.memory_space<vmem>>) semaphore(%arg12 : memref<!tpu.dma_semaphore, #tpu.memory_space<semaphore_mem>>)
      } else {
      }
      %add3A_75 = arith.constant 1 : i32
      %add3A_76 = arith.addi %mul3A_48, %add3A_75 : i32
      %dma_wait3A_77 = arith.constant 1 : i32
      %dma_wait3A_78 = arith.constant 0 : i32
      %dma_wait3A_79 = arith.constant 0 : i32
      %dma_wait3A_80 = tpu.memref_slice %arg9[%dma_wait3A_77, %dma_wait3A_78, %dma_wait3A_79] : memref<2x128x64xf32, #tpu.memory_space<vmem>> -> memref<1x128x64xf32, #tpu.memory_space<vmem>>
      %dma_wait3A_81 = tpu.memref_squeeze %dma_wait3A_80 : memref<1x128x64xf32, #tpu.memory_space<vmem>> -> memref<128x64xf32, #tpu.memory_space<vmem>>
      %dma_wait3A_82 = arith.constant 0 : i32
      %dma_wait3A_83 = tpu.memref_slice %arg7[%add3A_76, %dma_wait3A_82] : memref<80x128xi32, #tpu.memory_space<vmem>> -> memref<1x128xi32, #tpu.memory_space<vmem>>
      %dma_wait3A_84 = tpu.memref_squeeze %dma_wait3A_83 : memref<1x128xi32, #tpu.memory_space<vmem>> -> memref<128xi32, #tpu.memory_space<vmem>>
      %dma_wait3A_85 = arith.constant 0 : i32
      %dma_wait3A_86 = arith.constant 0 : i32
      %dma_wait3A_87 = tpu.memref_slice %arg11[%dma_wait3A_85, %dma_wait3A_86] : memref<10000x64xf32, #tpu.memory_space<vmem_shared>> -> memref<10000x64xf32, #tpu.memory_space<vmem_shared>>
      tpu.wait_indirect_dma semaphore(%arg13 : memref<!tpu.dma_semaphore, #tpu.memory_space<semaphore_mem>>) src(%dma_wait3A_87 : memref<10000x64xf32, #tpu.memory_space<vmem_shared>>) dst(%dma_wait3A_81 : memref<128x64xf32, #tpu.memory_space<vmem>>)
      %run_scoped3A_88 = arith.constant 1 : i32
      "tpu.region"() ({
        %run_scoped3A_90 = tpu.sem_alloc : memref<!tpu.dma_semaphore, #tpu.memory_space<semaphore_mem>>
        %dma_start3A_91 = arith.constant 0 : i32
        %dma_start3A_92 = arith.constant 0 : i32
        %dma_start3A_93 = tpu.memref_slice %arg9[%run_scoped3A_88, %dma_start3A_91, %dma_start3A_92] : memref<2x128x64xf32, #tpu.memory_space<vmem>> -> memref<1x128x64xf32, #tpu.memory_space<vmem>>
        %dma_start3A_94 = tpu.memref_squeeze %dma_start3A_93 : memref<1x128x64xf32, #tpu.memory_space<vmem>> -> memref<128x64xf32, #tpu.memory_space<vmem>>
        %dma_start3A_95 = arith.constant 0 : i32
        %dma_start3A_96 = tpu.memref_slice %arg8[%add3A_76, %dma_start3A_95] : memref<80x128xi32, #tpu.memory_space<vmem>> -> memref<1x128xi32, #tpu.memory_space<vmem>>
        %dma_start3A_97 = tpu.memref_squeeze %dma_start3A_96 : memref<1x128xi32, #tpu.memory_space<vmem>> -> memref<128xi32, #tpu.memory_space<vmem>>
        %dma_start3A_98 = arith.constant 0 : i32
        %dma_start3A_99 = arith.constant 0 : i32
        %dma_start3A_100 = tpu.memref_slice %arg10[%dma_start3A_98, %dma_start3A_99] : memref<10112x64xf32, #tpu.memory_space<vmem_shared>> -> memref<10112x64xf32, #tpu.memory_space<vmem_shared>>
        tpu.enqueue_indirect_dma source(%dma_start3A_94 : memref<128x64xf32, #tpu.memory_space<vmem>>) target(%dma_start3A_100 : memref<10112x64xf32, #tpu.memory_space<vmem_shared>>) offsets(%dma_start3A_97 : memref<128xi32, #tpu.memory_space<vmem>>) semaphore(%run_scoped3A_90 : memref<!tpu.dma_semaphore, #tpu.memory_space<semaphore_mem>>) {add = true}
        %dma_wait3A_101 = arith.constant 0 : i32
        %dma_wait3A_102 = arith.constant 0 : i32
        %dma_wait3A_103 = tpu.memref_slice %arg9[%run_scoped3A_88, %dma_wait3A_101, %dma_wait3A_102] : memref<2x128x64xf32, #tpu.memory_space<vmem>> -> memref<1x128x64xf32, #tpu.memory_space<vmem>>
        %dma_wait3A_104 = tpu.memref_squeeze %dma_wait3A_103 : memref<1x128x64xf32, #tpu.memory_space<vmem>> -> memref<128x64xf32, #tpu.memory_space<vmem>>
        %dma_wait3A_105 = arith.constant 0 : i32
        %dma_wait3A_106 = tpu.memref_slice %arg8[%add3A_76, %dma_wait3A_105] : memref<80x128xi32, #tpu.memory_space<vmem>> -> memref<1x128xi32, #tpu.memory_space<vmem>>
        %dma_wait3A_107 = tpu.memref_squeeze %dma_wait3A_106 : memref<1x128xi32, #tpu.memory_space<vmem>> -> memref<128xi32, #tpu.memory_space<vmem>>
        %dma_wait3A_108 = arith.constant 0 : i32
        %dma_wait3A_109 = arith.constant 0 : i32
        %dma_wait3A_110 = tpu.memref_slice %arg10[%dma_wait3A_108, %dma_wait3A_109] : memref<10112x64xf32, #tpu.memory_space<vmem_shared>> -> memref<10112x64xf32, #tpu.memory_space<vmem_shared>>
        tpu.wait_indirect_dma semaphore(%run_scoped3A_90 : memref<!tpu.dma_semaphore, #tpu.memory_space<semaphore_mem>>) src(%dma_wait3A_104 : memref<128x64xf32, #tpu.memory_space<vmem>>) dst(%dma_wait3A_110 : memref<10112x64xf32, #tpu.memory_space<vmem_shared>>)
        tpu.yield
      }) : () -> ()
      %while3A_89 = arith.constant 0 : i32
      scf.yield %while3A_89 : i32
    }
    %while3A_38 = arith.constant 1 : i32
    %while3A_39 = scf.for %while3A_45 = %while3A_35 to %while3A_31 step %while3A_38 iter_args(%while3A_46 = %while3A_37) -> (i32)  : i32 {
      %mul3A_47 = arith.constant 2 : i32
      %mul3A_48 = arith.muli %mul3A_47, %while3A_45 : i32
      %add3A_49 = arith.constant 1 : i32
      %add3A_50 = arith.addi %mul3A_48, %add3A_49 : i32
      %dma_start3A_51 = arith.constant 1 : i32
      %dma_start3A_52 = arith.constant 0 : i32
      %dma_start3A_53 = arith.constant 0 : i32
      %dma_start3A_54 = tpu.memref_slice %arg9[%dma_start3A_51, %dma_start3A_52, %dma_start3A_53] : memref<2x128x64xf32, #tpu.memory_space<vmem>> -> memref<1x128x64xf32, #tpu.memory_space<vmem>>
      %dma_start3A_55 = tpu.memref_squeeze %dma_start3A_54 : memref<1x128x64xf32, #tpu.memory_space<vmem>> -> memref<128x64xf32, #tpu.memory_space<vmem>>
      %dma_start3A_56 = arith.constant 0 : i32
      %dma_start3A_57 = tpu.memref_slice %arg7[%add3A_50, %dma_start3A_56] : memref<80x128xi32, #tpu.memory_space<vmem>> -> memref<1x128xi32, #tpu.memory_space<vmem>>
      %dma_start3A_58 = tpu.memref_squeeze %dma_start3A_57 : memref<1x128xi32, #tpu.memory_space<vmem>> -> memref<128xi32, #tpu.memory_space<vmem>>
      %dma_start3A_59 = arith.constant 0 : i32
      %dma_start3A_60 = arith.constant 0 : i32
      %dma_start3A_61 = tpu.memref_slice %arg11[%dma_start3A_59, %dma_start3A_60] : memref<10000x64xf32, #tpu.memory_space<vmem_shared>> -> memref<10000x64xf32, #tpu.memory_space<vmem_shared>>
      tpu.enqueue_indirect_dma source(%dma_start3A_61 : memref<10000x64xf32, #tpu.memory_space<vmem_shared>>) target(%dma_start3A_55 : memref<128x64xf32, #tpu.memory_space<vmem>>) offsets(%dma_start3A_58 : memref<128xi32, #tpu.memory_space<vmem>>) semaphore(%arg13 : memref<!tpu.dma_semaphore, #tpu.memory_space<semaphore_mem>>)
      %dma_wait3A = arith.constant 0 : i32
      %dma_wait3A_62 = arith.constant 0 : i32
      %dma_wait3A_63 = arith.constant 0 : i32
      %dma_wait3A_64 = tpu.memref_slice %arg9[%dma_wait3A, %dma_wait3A_62, %dma_wait3A_63] : memref<2x128x64xf32, #tpu.memory_space<vmem>> -> memref<1x128x64xf32, #tpu.memory_space<vmem>>
      %dma_wait3A_65 = tpu.memref_squeeze %dma_wait3A_64 : memref<1x128x64xf32, #tpu.memory_space<vmem>> -> memref<128x64xf32, #tpu.memory_space<vmem>>
      %dma_wait3A_66 = arith.constant 0 : i32
      %dma_wait3A_67 = tpu.memref_slice %arg7[%mul3A_48, %dma_wait3A_66] : memref<80x128xi32, #tpu.memory_space<vmem>> -> memref<1x128xi32, #tpu.memory_space<vmem>>
      %dma_wait3A_68 = tpu.memref_squeeze %dma_wait3A_67 : memref<1x128xi32, #tpu.memory_space<vmem>> -> memref<128xi32, #tpu.memory_space<vmem>>
      %dma_wait3A_69 = arith.constant 0 : i32
      %dma_wait3A_70 = arith.constant 0 : i32
      %dma_wait3A_71 = tpu.memref_slice %arg11[%dma_wait3A_69, %dma_wait3A_70] : memref<10000x64xf32, #tpu.memory_space<vmem_shared>> -> memref<10000x64xf32, #tpu.memory_space<vmem_shared>>
      tpu.wait_indirect_dma semaphore(%arg12 : memref<!tpu.dma_semaphore, #tpu.memory_space<semaphore_mem>>) src(%dma_wait3A_71 : memref<10000x64xf32, #tpu.memory_space<vmem_shared>>) dst(%dma_wait3A_65 : memref<128x64xf32, #tpu.memory_space<vmem>>)
      %run_scoped3A = arith.constant 0 : i32
      "tpu.region"() ({
        %run_scoped3A_90 = tpu.sem_alloc : memref<!tpu.dma_semaphore, #tpu.memory_space<semaphore_mem>>
        %dma_start3A_91 = arith.constant 0 : i32
        %dma_start3A_92 = arith.constant 0 : i32
        %dma_start3A_93 = tpu.memref_slice %arg9[%run_scoped3A, %dma_start3A_91, %dma_start3A_92] : memref<2x128x64xf32, #tpu.memory_space<vmem>> -> memref<1x128x64xf32, #tpu.memory_space<vmem>>
        %dma_start3A_94 = tpu.memref_squeeze %dma_start3A_93 : memref<1x128x64xf32, #tpu.memory_space<vmem>> -> memref<128x64xf32, #tpu.memory_space<vmem>>
        %dma_start3A_95 = arith.constant 0 : i32
        %dma_start3A_96 = tpu.memref_slice %arg8[%mul3A_48, %dma_start3A_95] : memref<80x128xi32, #tpu.memory_space<vmem>> -> memref<1x128xi32, #tpu.memory_space<vmem>>
        %dma_start3A_97 = tpu.memref_squeeze %dma_start3A_96 : memref<1x128xi32, #tpu.memory_space<vmem>> -> memref<128xi32, #tpu.memory_space<vmem>>
        %dma_start3A_98 = arith.constant 0 : i32
        %dma_start3A_99 = arith.constant 0 : i32
        %dma_start3A_100 = tpu.memref_slice %arg10[%dma_start3A_98, %dma_start3A_99] : memref<10112x64xf32, #tpu.memory_space<vmem_shared>> -> memref<10112x64xf32, #tpu.memory_space<vmem_shared>>
        tpu.enqueue_indirect_dma source(%dma_start3A_94 : memref<128x64xf32, #tpu.memory_space<vmem>>) target(%dma_start3A_100 : memref<10112x64xf32, #tpu.memory_space<vmem_shared>>) offsets(%dma_start3A_97 : memref<128xi32, #tpu.memory_space<vmem>>) semaphore(%run_scoped3A_90 : memref<!tpu.dma_semaphore, #tpu.memory_space<semaphore_mem>>) {add = true}
        %dma_wait3A_101 = arith.constant 0 : i32
        %dma_wait3A_102 = arith.constant 0 : i32
        %dma_wait3A_103 = tpu.memref_slice %arg9[%run_scoped3A, %dma_wait3A_101, %dma_wait3A_102] : memref<2x128x64xf32, #tpu.memory_space<vmem>> -> memref<1x128x64xf32, #tpu.memory_space<vmem>>
        %dma_wait3A_104 = tpu.memref_squeeze %dma_wait3A_103 : memref<1x128x64xf32, #tpu.memory_space<vmem>> -> memref<128x64xf32, #tpu.memory_space<vmem>>
        %dma_wait3A_105 = arith.constant 0 : i32
        %dma_wait3A_106 = tpu.memref_slice %arg8[%mul3A_48, %dma_wait3A_105] : memref<80x128xi32, #tpu.memory_space<vmem>> -> memref<1x128xi32, #tpu.memory_space<vmem>>
        %dma_wait3A_107 = tpu.memref_squeeze %dma_wait3A_106 : memref<1x128xi32, #tpu.memory_space<vmem>> -> memref<128xi32, #tpu.memory_space<vmem>>
        %dma_wait3A_108 = arith.constant 0 : i32
        %dma_wait3A_109 = arith.constant 0 : i32
        %dma_wait3A_110 = tpu.memref_slice %arg10[%dma_wait3A_108, %dma_wait3A_109] : memref<10112x64xf32, #tpu.memory_space<vmem_shared>> -> memref<10112x64xf32, #tpu.memory_space<vmem_shared>>
        tpu.wait_indirect_dma semaphore(%run_scoped3A_90 : memref<!tpu.dma_semaphore, #tpu.memory_space<semaphore_mem>>) src(%dma_wait3A_104 : memref<128x64xf32, #tpu.memory_space<vmem>>) dst(%dma_wait3A_110 : memref<10112x64xf32, #tpu.memory_space<vmem_shared>>)
        tpu.yield
      }) : () -> ()
      %add3A_72 = arith.constant 1 : i32
      %add3A_73 = arith.addi %while3A_45, %add3A_72 : i32
      %lt3A = arith.cmpi slt, %add3A_73, %select_n3A_17 : i32
      %convert_element_type3A = arith.extui %lt3A : i1 to i32
      %cond3A = arith.constant 0 : i32
      %cond3A_74 = arith.cmpi ne, %convert_element_type3A, %cond3A : i32
      scf.if %cond3A_74 {
        %add3A_90 = arith.constant 2 : i32
        %add3A_91 = arith.addi %mul3A_48, %add3A_90 : i32
        %dma_start3A_92 = arith.constant 0 : i32
        %dma_start3A_93 = arith.constant 0 : i32
        %dma_start3A_94 = arith.constant 0 : i32
        %dma_start3A_95 = tpu.memref_slice %arg9[%dma_start3A_92, %dma_start3A_93, %dma_start3A_94] : memref<2x128x64xf32, #tpu.memory_space<vmem>> -> memref<1x128x64xf32, #tpu.memory_space<vmem>>
        %dma_start3A_96 = tpu.memref_squeeze %dma_start3A_95 : memref<1x128x64xf32, #tpu.memory_space<vmem>> -> memref<128x64xf32, #tpu.memory_space<vmem>>
        %dma_start3A_97 = arith.constant 0 : i32
        %dma_start3A_98 = tpu.memref_slice %arg7[%add3A_91, %dma_start3A_97] : memref<80x128xi32, #tpu.memory_space<vmem>> -> memref<1x128xi32, #tpu.memory_space<vmem>>
        %dma_start3A_99 = tpu.memref_squeeze %dma_start3A_98 : memref<1x128xi32, #tpu.memory_space<vmem>> -> memref<128xi32, #tpu.memory_space<vmem>>
        %dma_start3A_100 = arith.constant 0 : i32
        %dma_start3A_101 = arith.constant 0 : i32
        %dma_start3A_102 = tpu.memref_slice %arg11[%dma_start3A_100, %dma_start3A_101] : memref<10000x64xf32, #tpu.memory_space<vmem_shared>> -> memref<10000x64xf32, #tpu.memory_space<vmem_shared>>
        tpu.enqueue_indirect_dma source(%dma_start3A_102 : memref<10000x64xf32, #tpu.memory_space<vmem_shared>>) target(%dma_start3A_96 : memref<128x64xf32, #tpu.memory_space<vmem>>) offsets(%dma_start3A_99 : memref<128xi32, #tpu.memory_space<vmem>>) semaphore(%arg12 : memref<!tpu.dma_semaphore, #tpu.memory_space<semaphore_mem>>)
      } else {
      }
      %add3A_75 = arith.constant 1 : i32
      %add3A_76 = arith.addi %mul3A_48, %add3A_75 : i32
      %dma_wait3A_77 = arith.constant 1 : i32
      %dma_wait3A_78 = arith.constant 0 : i32
      %dma_wait3A_79 = arith.constant 0 : i32
      %dma_wait3A_80 = tpu.memref_slice %arg9[%dma_wait3A_77, %dma_wait3A_78, %dma_wait3A_79] : memref<2x128x64xf32, #tpu.memory_space<vmem>> -> memref<1x128x64xf32, #tpu.memory_space<vmem>>
      %dma_wait3A_81 = tpu.memref_squeeze %dma_wait3A_80 : memref<1x128x64xf32, #tpu.memory_space<vmem>> -> memref<128x64xf32, #tpu.memory_space<vmem>>
      %dma_wait3A_82 = arith.constant 0 : i32
      %dma_wait3A_83 = tpu.memref_slice %arg7[%add3A_76, %dma_wait3A_82] : memref<80x128xi32, #tpu.memory_space<vmem>> -> memref<1x128xi32, #tpu.memory_space<vmem>>
      %dma_wait3A_84 = tpu.memref_squeeze %dma_wait3A_83 : memref<1x128xi32, #tpu.memory_space<vmem>> -> memref<128xi32, #tpu.memory_space<vmem>>
      %dma_wait3A_85 = arith.constant 0 : i32
      %dma_wait3A_86 = arith.constant 0 : i32
      %dma_wait3A_87 = tpu.memref_slice %arg11[%dma_wait3A_85, %dma_wait3A_86] : memref<10000x64xf32, #tpu.memory_space<vmem_shared>> -> memref<10000x64xf32, #tpu.memory_space<vmem_shared>>
      tpu.wait_indirect_dma semaphore(%arg13 : memref<!tpu.dma_semaphore, #tpu.memory_space<semaphore_mem>>) src(%dma_wait3A_87 : memref<10000x64xf32, #tpu.memory_space<vmem_shared>>) dst(%dma_wait3A_81 : memref<128x64xf32, #tpu.memory_space<vmem>>)
      %run_scoped3A_88 = arith.constant 1 : i32
      "tpu.region"() ({
        %run_scoped3A_90 = tpu.sem_alloc : memref<!tpu.dma_semaphore, #tpu.memory_space<semaphore_mem>>
        %dma_start3A_91 = arith.constant 0 : i32
        %dma_start3A_92 = arith.constant 0 : i32
        %dma_start3A_93 = tpu.memref_slice %arg9[%run_scoped3A_88, %dma_start3A_91, %dma_start3A_92] : memref<2x128x64xf32, #tpu.memory_space<vmem>> -> memref<1x128x64xf32, #tpu.memory_space<vmem>>
        %dma_start3A_94 = tpu.memref_squeeze %dma_start3A_93 : memref<1x128x64xf32, #tpu.memory_space<vmem>> -> memref<128x64xf32, #tpu.memory_space<vmem>>
        %dma_start3A_95 = arith.constant 0 : i32
        %dma_start3A_96 = tpu.memref_slice %arg8[%add3A_76, %dma_start3A_95] : memref<80x128xi32, #tpu.memory_space<vmem>> -> memref<1x128xi32, #tpu.memory_space<vmem>>
        %dma_start3A_97 = tpu.memref_squeeze %dma_start3A_96 : memref<1x128xi32, #tpu.memory_space<vmem>> -> memref<128xi32, #tpu.memory_space<vmem>>
        %dma_start3A_98 = arith.constant 0 : i32
        %dma_start3A_99 = arith.constant 0 : i32
        %dma_start3A_100 = tpu.memref_slice %arg10[%dma_start3A_98, %dma_start3A_99] : memref<10112x64xf32, #tpu.memory_space<vmem_shared>> -> memref<10112x64xf32, #tpu.memory_space<vmem_shared>>
        tpu.enqueue_indirect_dma source(%dma_start3A_94 : memref<128x64xf32, #tpu.memory_space<vmem>>) target(%dma_start3A_100 : memref<10112x64xf32, #tpu.memory_space<vmem_shared>>) offsets(%dma_start3A_97 : memref<128xi32, #tpu.memory_space<vmem>>) semaphore(%run_scoped3A_90 : memref<!tpu.dma_semaphore, #tpu.memory_space<semaphore_mem>>) {add = true}
        %dma_wait3A_101 = arith.constant 0 : i32
        %dma_wait3A_102 = arith.constant 0 : i32
        %dma_wait3A_103 = tpu.memref_slice %arg9[%run_scoped3A_88, %dma_wait3A_101, %dma_wait3A_102] : memref<2x128x64xf32, #tpu.memory_space<vmem>> -> memref<1x128x64xf32, #tpu.memory_space<vmem>>
        %dma_wait3A_104 = tpu.memref_squeeze %dma_wait3A_103 : memref<1x128x64xf32, #tpu.memory_space<vmem>> -> memref<128x64xf32, #tpu.memory_space<vmem>>
        %dma_wait3A_105 = arith.constant 0 : i32
        %dma_wait3A_106 = tpu.memref_slice %arg8[%add3A_76, %dma_wait3A_105] : memref<80x128xi32, #tpu.memory_space<vmem>> -> memref<1x128xi32, #tpu.memory_space<vmem>>
        %dma_wait3A_107 = tpu.memref_squeeze %dma_wait3A_106 : memref<1x128xi32, #tpu.memory_space<vmem>> -> memref<128xi32, #tpu.memory_space<vmem>>
        %dma_wait3A_108 = arith.constant 0 : i32
        %dma_wait3A_109 = arith.constant 0 : i32
        %dma_wait3A_110 = tpu.memref_slice %arg10[%dma_wait3A_108, %dma_wait3A_109] : memref<10112x64xf32, #tpu.memory_space<vmem_shared>> -> memref<10112x64xf32, #tpu.memory_space<vmem_shared>>
        tpu.wait_indirect_dma semaphore(%run_scoped3A_90 : memref<!tpu.dma_semaphore, #tpu.memory_space<semaphore_mem>>) src(%dma_wait3A_104 : memref<128x64xf32, #tpu.memory_space<vmem>>) dst(%dma_wait3A_110 : memref<10112x64xf32, #tpu.memory_space<vmem_shared>>)
        tpu.yield
      }) : () -> ()
      %while3A_89 = arith.constant 0 : i32
      scf.yield %while3A_89 : i32
    }
    %barrier3A_40 = arith.constant 0 : index
    tpu.barrier barrier_id(%barrier3A_40)
    %mul3A_41 = arith.constant 632 : i32
    %mul3A_42 = arith.muli %arg1, %mul3A_41 : i32
    %mul3A_43 = arith.constant 632 : i32
    %mul3A_44 = arith.muli %arg1, %mul3A_43 : i32
    "tpu.region"() ({
      %run_scoped3A = tpu.sem_alloc : memref<!tpu.dma_semaphore, #tpu.memory_space<semaphore_mem>>
      %dma_start3A_45 = arith.constant 0 : i32
      %dma_start3A_46 = tpu.memref_slice %arg6[%arg0, %mul3A_44, %dma_start3A_45] : memref<2x10112x64xf32, #tpu.memory_space<hbm>> -> memref<1x632x64xf32, #tpu.memory_space<hbm>>
      %dma_start3A_47 = tpu.memref_squeeze %dma_start3A_46 : memref<1x632x64xf32, #tpu.memory_space<hbm>> -> memref<632x64xf32, #tpu.memory_space<hbm>>
      %dma_start3A_48 = arith.constant 0 : i32
      %dma_start3A_49 = tpu.memref_slice %arg10[%mul3A_42, %dma_start3A_48] : memref<10112x64xf32, #tpu.memory_space<vmem_shared>> -> memref<632x64xf32, #tpu.memory_space<vmem_shared>>
      tpu.enqueue_dma source(%dma_start3A_49 : memref<632x64xf32, #tpu.memory_space<vmem_shared>>) target(%dma_start3A_47 : memref<632x64xf32, #tpu.memory_space<hbm>>) target_semaphore(%run_scoped3A : memref<!tpu.dma_semaphore, #tpu.memory_space<semaphore_mem>>)
      %dma_wait3A = arith.constant 0 : i32
      %dma_wait3A_50 = tpu.memref_slice %arg6[%arg0, %mul3A_44, %dma_wait3A] : memref<2x10112x64xf32, #tpu.memory_space<hbm>> -> memref<1x632x64xf32, #tpu.memory_space<hbm>>
      %dma_wait3A_51 = tpu.memref_squeeze %dma_wait3A_50 : memref<1x632x64xf32, #tpu.memory_space<hbm>> -> memref<632x64xf32, #tpu.memory_space<hbm>>
      %dma_wait3A_52 = arith.constant 0 : i32
      %dma_wait3A_53 = tpu.memref_slice %arg10[%mul3A_42, %dma_wait3A_52] : memref<10112x64xf32, #tpu.memory_space<vmem_shared>> -> memref<632x64xf32, #tpu.memory_space<vmem_shared>>
      tpu.wait_dma2 semaphore(%run_scoped3A : memref<!tpu.dma_semaphore, #tpu.memory_space<semaphore_mem>>) src(%dma_wait3A_53 : memref<632x64xf32, #tpu.memory_space<vmem_shared>>) dst(%dma_wait3A_51 : memref<632x64xf32, #tpu.memory_space<hbm>>)
      tpu.yield
    }) : () -> ()
    return
  }
}

#map = affine_map<(d0, d1) -> (0, 0)>
#map1 = affine_map<(d0, d1) -> (0, 0, 0)>
module attributes {stable_mosaic.version = 14 : i64} {
  func.func @sc_kernel(%arg0: i32, %arg1: i32, %arg2: memref<10000x72xf32, #tpu.memory_space<hbm>>, %arg3: memref<10112x72xf32, #tpu.memory_space<hbm>>, %arg4: memref<2560x128xi32, #tpu.memory_space<hbm>>, %arg5: memref<2560x128xi32, #tpu.memory_space<hbm>>, %arg6: memref<2x10112x72xf32, #tpu.memory_space<hbm>>, %arg7: memref<80x128xi32, #tpu.memory_space<vmem>>, %arg8: memref<80x128xi32, #tpu.memory_space<vmem>>, %arg9: memref<2x128x72xf32, #tpu.memory_space<vmem>>, %arg10: memref<10112x72xf32, #tpu.memory_space<vmem_shared>>, %arg11: memref<10000x72xf32, #tpu.memory_space<vmem_shared>>, %arg12: memref<!tpu.dma_semaphore, #tpu.memory_space<semaphore_mem>>, %arg13: memref<!tpu.dma_semaphore, #tpu.memory_space<semaphore_mem>>) attributes {dimension_semantics = [#tpu.dimension_semantics<core_parallel>, #tpu.dimension_semantics<subcore_parallel>], iteration_bounds = array<i64: 2, 16>, scalar_prefetch = 0 : i64, scratch_operands = 7 : i64, tpu.core_type = #tpu.core_type<sc_vector_subcore>, window_params = [{transform_indices = #map}, {transform_indices = #map}, {transform_indices = #map}, {transform_indices = #map}, {transform_indices = #map1}]} {
    %eq3A = arith.constant 0 : i32
    %eq3A_0 = arith.cmpi eq, %arg0, %eq3A : i32
    %mul3A = arith.constant 80 : i32
    %mul3A_1 = arith.muli %arg1, %mul3A : i32
    %mul3A_2 = arith.constant 80 : i32
    %mul3A_3 = arith.muli %arg1, %mul3A_2 : i32
    %add3A = arith.constant 1280 : i32
    %add3A_4 = arith.addi %add3A, %mul3A_3 : i32
    %select_n3A = arith.select %eq3A_0, %mul3A_1, %add3A_4 : i32
    %mul3A_5 = arith.constant 625 : i32
    %mul3A_6 = arith.muli %arg1, %mul3A_5 : i32
    %mul3A_7 = arith.constant 625 : i32
    %mul3A_8 = arith.muli %arg1, %mul3A_7 : i32
    "tpu.region"() ({
      %run_scoped3A = tpu.sem_alloc : memref<!tpu.dma_semaphore, #tpu.memory_space<semaphore_mem>>
      %dma_start3A_45 = arith.constant 0 : i32
      %dma_start3A_46 = tpu.memref_slice %arg11[%mul3A_8, %dma_start3A_45] : memref<10000x72xf32, #tpu.memory_space<vmem_shared>> -> memref<625x72xf32, #tpu.memory_space<vmem_shared>>
      %dma_start3A_47 = arith.constant 0 : i32
      %dma_start3A_48 = tpu.memref_slice %arg2[%mul3A_6, %dma_start3A_47] : memref<10000x72xf32, #tpu.memory_space<hbm>> -> memref<625x72xf32, #tpu.memory_space<hbm>>
      tpu.enqueue_dma source(%dma_start3A_48 : memref<625x72xf32, #tpu.memory_space<hbm>>) target(%dma_start3A_46 : memref<625x72xf32, #tpu.memory_space<vmem_shared>>) target_semaphore(%run_scoped3A : memref<!tpu.dma_semaphore, #tpu.memory_space<semaphore_mem>>)
      %dma_wait3A = arith.constant 0 : i32
      %dma_wait3A_49 = tpu.memref_slice %arg11[%mul3A_8, %dma_wait3A] : memref<10000x72xf32, #tpu.memory_space<vmem_shared>> -> memref<625x72xf32, #tpu.memory_space<vmem_shared>>
      %dma_wait3A_50 = arith.constant 0 : i32
      %dma_wait3A_51 = tpu.memref_slice %arg2[%mul3A_6, %dma_wait3A_50] : memref<10000x72xf32, #tpu.memory_space<hbm>> -> memref<625x72xf32, #tpu.memory_space<hbm>>
      tpu.wait_dma2 semaphore(%run_scoped3A : memref<!tpu.dma_semaphore, #tpu.memory_space<semaphore_mem>>) src(%dma_wait3A_51 : memref<625x72xf32, #tpu.memory_space<hbm>>) dst(%dma_wait3A_49 : memref<625x72xf32, #tpu.memory_space<vmem_shared>>)
      tpu.yield
    }) : () -> ()
    %mul3A_9 = arith.constant 632 : i32
    %mul3A_10 = arith.muli %arg1, %mul3A_9 : i32
    %mul3A_11 = arith.constant 632 : i32
    %mul3A_12 = arith.muli %arg1, %mul3A_11 : i32
    "tpu.region"() ({
      %run_scoped3A = tpu.sem_alloc : memref<!tpu.dma_semaphore, #tpu.memory_space<semaphore_mem>>
      %dma_start3A_45 = arith.constant 0 : i32
      %dma_start3A_46 = tpu.memref_slice %arg10[%mul3A_12, %dma_start3A_45] : memref<10112x72xf32, #tpu.memory_space<vmem_shared>> -> memref<632x72xf32, #tpu.memory_space<vmem_shared>>
      %dma_start3A_47 = arith.constant 0 : i32
      %dma_start3A_48 = tpu.memref_slice %arg3[%mul3A_10, %dma_start3A_47] : memref<10112x72xf32, #tpu.memory_space<hbm>> -> memref<632x72xf32, #tpu.memory_space<hbm>>
      tpu.enqueue_dma source(%dma_start3A_48 : memref<632x72xf32, #tpu.memory_space<hbm>>) target(%dma_start3A_46 : memref<632x72xf32, #tpu.memory_space<vmem_shared>>) target_semaphore(%run_scoped3A : memref<!tpu.dma_semaphore, #tpu.memory_space<semaphore_mem>>)
      %dma_wait3A = arith.constant 0 : i32
      %dma_wait3A_49 = tpu.memref_slice %arg10[%mul3A_12, %dma_wait3A] : memref<10112x72xf32, #tpu.memory_space<vmem_shared>> -> memref<632x72xf32, #tpu.memory_space<vmem_shared>>
      %dma_wait3A_50 = arith.constant 0 : i32
      %dma_wait3A_51 = tpu.memref_slice %arg3[%mul3A_10, %dma_wait3A_50] : memref<10112x72xf32, #tpu.memory_space<hbm>> -> memref<632x72xf32, #tpu.memory_space<hbm>>
      tpu.wait_dma2 semaphore(%run_scoped3A : memref<!tpu.dma_semaphore, #tpu.memory_space<semaphore_mem>>) src(%dma_wait3A_51 : memref<632x72xf32, #tpu.memory_space<hbm>>) dst(%dma_wait3A_49 : memref<632x72xf32, #tpu.memory_space<vmem_shared>>)
      tpu.yield
    }) : () -> ()
    "tpu.region"() ({
      %run_scoped3A = tpu.sem_alloc : memref<!tpu.dma_semaphore, #tpu.memory_space<semaphore_mem>>
      %dma_start3A_45 = arith.constant 0 : i32
      %dma_start3A_46 = tpu.memref_slice %arg4[%select_n3A, %dma_start3A_45] : memref<2560x128xi32, #tpu.memory_space<hbm>> -> memref<80x128xi32, #tpu.memory_space<hbm>>
      %dma_start3A_47 = arith.constant 0 : i32
      %dma_start3A_48 = tpu.memref_slice %arg4[%select_n3A, %dma_start3A_47] : memref<2560x128xi32, #tpu.memory_space<hbm>> -> memref<80x128xi32, #tpu.memory_space<hbm>>
      tpu.enqueue_dma source(%dma_start3A_48 : memref<80x128xi32, #tpu.memory_space<hbm>>) target(%arg7 : memref<80x128xi32, #tpu.memory_space<vmem>>) target_semaphore(%run_scoped3A : memref<!tpu.dma_semaphore, #tpu.memory_space<semaphore_mem>>)
      %dma_wait3A = arith.constant 0 : i32
      %dma_wait3A_49 = tpu.memref_slice %arg4[%select_n3A, %dma_wait3A] : memref<2560x128xi32, #tpu.memory_space<hbm>> -> memref<80x128xi32, #tpu.memory_space<hbm>>
      %dma_wait3A_50 = arith.constant 0 : i32
      %dma_wait3A_51 = tpu.memref_slice %arg4[%select_n3A, %dma_wait3A_50] : memref<2560x128xi32, #tpu.memory_space<hbm>> -> memref<80x128xi32, #tpu.memory_space<hbm>>
      tpu.wait_dma2 semaphore(%run_scoped3A : memref<!tpu.dma_semaphore, #tpu.memory_space<semaphore_mem>>) src(%dma_wait3A_51 : memref<80x128xi32, #tpu.memory_space<hbm>>) dst(%arg7 : memref<80x128xi32, #tpu.memory_space<vmem>>)
      tpu.yield
    }) : () -> ()
    "tpu.region"() ({
      %run_scoped3A = tpu.sem_alloc : memref<!tpu.dma_semaphore, #tpu.memory_space<semaphore_mem>>
      %dma_start3A_45 = arith.constant 0 : i32
      %dma_start3A_46 = tpu.memref_slice %arg5[%select_n3A, %dma_start3A_45] : memref<2560x128xi32, #tpu.memory_space<hbm>> -> memref<80x128xi32, #tpu.memory_space<hbm>>
      %dma_start3A_47 = arith.constant 0 : i32
      %dma_start3A_48 = tpu.memref_slice %arg5[%select_n3A, %dma_start3A_47] : memref<2560x128xi32, #tpu.memory_space<hbm>> -> memref<80x128xi32, #tpu.memory_space<hbm>>
      tpu.enqueue_dma source(%dma_start3A_48 : memref<80x128xi32, #tpu.memory_space<hbm>>) target(%arg8 : memref<80x128xi32, #tpu.memory_space<vmem>>) target_semaphore(%run_scoped3A : memref<!tpu.dma_semaphore, #tpu.memory_space<semaphore_mem>>)
      %dma_wait3A = arith.constant 0 : i32
      %dma_wait3A_49 = tpu.memref_slice %arg5[%select_n3A, %dma_wait3A] : memref<2560x128xi32, #tpu.memory_space<hbm>> -> memref<80x128xi32, #tpu.memory_space<hbm>>
      %dma_wait3A_50 = arith.constant 0 : i32
      %dma_wait3A_51 = tpu.memref_slice %arg5[%select_n3A, %dma_wait3A_50] : memref<2560x128xi32, #tpu.memory_space<hbm>> -> memref<80x128xi32, #tpu.memory_space<hbm>>
      tpu.wait_dma2 semaphore(%run_scoped3A : memref<!tpu.dma_semaphore, #tpu.memory_space<semaphore_mem>>) src(%dma_wait3A_51 : memref<80x128xi32, #tpu.memory_space<hbm>>) dst(%arg8 : memref<80x128xi32, #tpu.memory_space<vmem>>)
      tpu.yield
    }) : () -> ()
    %barrier3A = arith.constant 0 : index
    tpu.barrier barrier_id(%barrier3A)
    %eq3A_13 = arith.constant 0 : i32
    %eq3A_14 = arith.cmpi eq, %arg0, %eq3A_13 : i32
    %select_n3A_15 = arith.constant 40 : i32
    %select_n3A_16 = arith.constant 40 : i32
    %select_n3A_17 = arith.select %eq3A_14, %select_n3A_16, %select_n3A_15 : i32
    %dma_start3A = arith.constant 0 : i32
    %dma_start3A_18 = arith.constant 0 : i32
    %dma_start3A_19 = arith.constant 0 : i32
    %dma_start3A_20 = arith.constant 0 : i32
    %dma_start3A_21 = tpu.memref_slice %arg9[%dma_start3A_18, %dma_start3A_19, %dma_start3A_20] : memref<2x128x72xf32, #tpu.memory_space<vmem>> -> memref<1x128x72xf32, #tpu.memory_space<vmem>>
    %dma_start3A_22 = tpu.memref_squeeze %dma_start3A_21 : memref<1x128x72xf32, #tpu.memory_space<vmem>> -> memref<128x72xf32, #tpu.memory_space<vmem>>
    %dma_start3A_23 = arith.constant 0 : i32
    %dma_start3A_24 = tpu.memref_slice %arg7[%dma_start3A, %dma_start3A_23] : memref<80x128xi32, #tpu.memory_space<vmem>> -> memref<1x128xi32, #tpu.memory_space<vmem>>
    %dma_start3A_25 = tpu.memref_squeeze %dma_start3A_24 : memref<1x128xi32, #tpu.memory_space<vmem>> -> memref<128xi32, #tpu.memory_space<vmem>>
    %dma_start3A_26 = arith.constant 0 : i32
    %dma_start3A_27 = arith.constant 0 : i32
    %dma_start3A_28 = tpu.memref_slice %arg11[%dma_start3A_26, %dma_start3A_27] : memref<10000x72xf32, #tpu.memory_space<vmem_shared>> -> memref<10000x72xf32, #tpu.memory_space<vmem_shared>>
    tpu.enqueue_indirect_dma source(%dma_start3A_28 : memref<10000x72xf32, #tpu.memory_space<vmem_shared>>) target(%dma_start3A_22 : memref<128x72xf32, #tpu.memory_space<vmem>>) offsets(%dma_start3A_25 : memref<128xi32, #tpu.memory_space<vmem>>) semaphore(%arg12 : memref<!tpu.dma_semaphore, #tpu.memory_space<semaphore_mem>>)
    %while3A = arith.constant 0 : i32
    %while3A_29 = arith.constant 0 : i32
    %while3A_30 = arith.subi %select_n3A_17, %while3A : i32
    %while3A_31 = arith.addi %while3A, %while3A_30 : i32
    %while3A_32 = arith.constant 1 : i32
    %while3A_33 = arith.divsi %while3A_30, %while3A_32 : i32
    %while3A_34 = arith.muli %while3A_33, %while3A_32 : i32
    %while3A_35 = arith.addi %while3A, %while3A_34 : i32
    %while3A_36 = arith.constant 1 : i32
    %while3A_37 = scf.for %while3A_45 = %while3A to %while3A_35 step %while3A_36 iter_args(%while3A_46 = %while3A_29) -> (i32)  : i32 {
      %mul3A_47 = arith.constant 2 : i32
      %mul3A_48 = arith.muli %mul3A_47, %while3A_45 : i32
      %add3A_49 = arith.constant 1 : i32
      %add3A_50 = arith.addi %mul3A_48, %add3A_49 : i32
      %dma_start3A_51 = arith.constant 1 : i32
      %dma_start3A_52 = arith.constant 0 : i32
      %dma_start3A_53 = arith.constant 0 : i32
      %dma_start3A_54 = tpu.memref_slice %arg9[%dma_start3A_51, %dma_start3A_52, %dma_start3A_53] : memref<2x128x72xf32, #tpu.memory_space<vmem>> -> memref<1x128x72xf32, #tpu.memory_space<vmem>>
      %dma_start3A_55 = tpu.memref_squeeze %dma_start3A_54 : memref<1x128x72xf32, #tpu.memory_space<vmem>> -> memref<128x72xf32, #tpu.memory_space<vmem>>
      %dma_start3A_56 = arith.constant 0 : i32
      %dma_start3A_57 = tpu.memref_slice %arg7[%add3A_50, %dma_start3A_56] : memref<80x128xi32, #tpu.memory_space<vmem>> -> memref<1x128xi32, #tpu.memory_space<vmem>>
      %dma_start3A_58 = tpu.memref_squeeze %dma_start3A_57 : memref<1x128xi32, #tpu.memory_space<vmem>> -> memref<128xi32, #tpu.memory_space<vmem>>
      %dma_start3A_59 = arith.constant 0 : i32
      %dma_start3A_60 = arith.constant 0 : i32
      %dma_start3A_61 = tpu.memref_slice %arg11[%dma_start3A_59, %dma_start3A_60] : memref<10000x72xf32, #tpu.memory_space<vmem_shared>> -> memref<10000x72xf32, #tpu.memory_space<vmem_shared>>
      tpu.enqueue_indirect_dma source(%dma_start3A_61 : memref<10000x72xf32, #tpu.memory_space<vmem_shared>>) target(%dma_start3A_55 : memref<128x72xf32, #tpu.memory_space<vmem>>) offsets(%dma_start3A_58 : memref<128xi32, #tpu.memory_space<vmem>>) semaphore(%arg13 : memref<!tpu.dma_semaphore, #tpu.memory_space<semaphore_mem>>)
      %dma_wait3A = arith.constant 0 : i32
      %dma_wait3A_62 = arith.constant 0 : i32
      %dma_wait3A_63 = arith.constant 0 : i32
      %dma_wait3A_64 = tpu.memref_slice %arg9[%dma_wait3A, %dma_wait3A_62, %dma_wait3A_63] : memref<2x128x72xf32, #tpu.memory_space<vmem>> -> memref<1x128x72xf32, #tpu.memory_space<vmem>>
      %dma_wait3A_65 = tpu.memref_squeeze %dma_wait3A_64 : memref<1x128x72xf32, #tpu.memory_space<vmem>> -> memref<128x72xf32, #tpu.memory_space<vmem>>
      %dma_wait3A_66 = arith.constant 0 : i32
      %dma_wait3A_67 = tpu.memref_slice %arg7[%mul3A_48, %dma_wait3A_66] : memref<80x128xi32, #tpu.memory_space<vmem>> -> memref<1x128xi32, #tpu.memory_space<vmem>>
      %dma_wait3A_68 = tpu.memref_squeeze %dma_wait3A_67 : memref<1x128xi32, #tpu.memory_space<vmem>> -> memref<128xi32, #tpu.memory_space<vmem>>
      %dma_wait3A_69 = arith.constant 0 : i32
      %dma_wait3A_70 = arith.constant 0 : i32
      %dma_wait3A_71 = tpu.memref_slice %arg11[%dma_wait3A_69, %dma_wait3A_70] : memref<10000x72xf32, #tpu.memory_space<vmem_shared>> -> memref<10000x72xf32, #tpu.memory_space<vmem_shared>>
      tpu.wait_indirect_dma semaphore(%arg12 : memref<!tpu.dma_semaphore, #tpu.memory_space<semaphore_mem>>) src(%dma_wait3A_71 : memref<10000x72xf32, #tpu.memory_space<vmem_shared>>) dst(%dma_wait3A_65 : memref<128x72xf32, #tpu.memory_space<vmem>>)
      %run_scoped3A = arith.constant 0 : i32
      "tpu.region"() ({
        %run_scoped3A_90 = tpu.sem_alloc : memref<!tpu.dma_semaphore, #tpu.memory_space<semaphore_mem>>
        %dma_start3A_91 = arith.constant 0 : i32
        %dma_start3A_92 = arith.constant 0 : i32
        %dma_start3A_93 = tpu.memref_slice %arg9[%run_scoped3A, %dma_start3A_91, %dma_start3A_92] : memref<2x128x72xf32, #tpu.memory_space<vmem>> -> memref<1x128x72xf32, #tpu.memory_space<vmem>>
        %dma_start3A_94 = tpu.memref_squeeze %dma_start3A_93 : memref<1x128x72xf32, #tpu.memory_space<vmem>> -> memref<128x72xf32, #tpu.memory_space<vmem>>
        %dma_start3A_95 = arith.constant 0 : i32
        %dma_start3A_96 = tpu.memref_slice %arg8[%mul3A_48, %dma_start3A_95] : memref<80x128xi32, #tpu.memory_space<vmem>> -> memref<1x128xi32, #tpu.memory_space<vmem>>
        %dma_start3A_97 = tpu.memref_squeeze %dma_start3A_96 : memref<1x128xi32, #tpu.memory_space<vmem>> -> memref<128xi32, #tpu.memory_space<vmem>>
        %dma_start3A_98 = arith.constant 0 : i32
        %dma_start3A_99 = arith.constant 0 : i32
        %dma_start3A_100 = tpu.memref_slice %arg10[%dma_start3A_98, %dma_start3A_99] : memref<10112x72xf32, #tpu.memory_space<vmem_shared>> -> memref<10112x72xf32, #tpu.memory_space<vmem_shared>>
        tpu.enqueue_indirect_dma source(%dma_start3A_94 : memref<128x72xf32, #tpu.memory_space<vmem>>) target(%dma_start3A_100 : memref<10112x72xf32, #tpu.memory_space<vmem_shared>>) offsets(%dma_start3A_97 : memref<128xi32, #tpu.memory_space<vmem>>) semaphore(%run_scoped3A_90 : memref<!tpu.dma_semaphore, #tpu.memory_space<semaphore_mem>>) {add = true}
        %dma_wait3A_101 = arith.constant 0 : i32
        %dma_wait3A_102 = arith.constant 0 : i32
        %dma_wait3A_103 = tpu.memref_slice %arg9[%run_scoped3A, %dma_wait3A_101, %dma_wait3A_102] : memref<2x128x72xf32, #tpu.memory_space<vmem>> -> memref<1x128x72xf32, #tpu.memory_space<vmem>>
        %dma_wait3A_104 = tpu.memref_squeeze %dma_wait3A_103 : memref<1x128x72xf32, #tpu.memory_space<vmem>> -> memref<128x72xf32, #tpu.memory_space<vmem>>
        %dma_wait3A_105 = arith.constant 0 : i32
        %dma_wait3A_106 = tpu.memref_slice %arg8[%mul3A_48, %dma_wait3A_105] : memref<80x128xi32, #tpu.memory_space<vmem>> -> memref<1x128xi32, #tpu.memory_space<vmem>>
        %dma_wait3A_107 = tpu.memref_squeeze %dma_wait3A_106 : memref<1x128xi32, #tpu.memory_space<vmem>> -> memref<128xi32, #tpu.memory_space<vmem>>
        %dma_wait3A_108 = arith.constant 0 : i32
        %dma_wait3A_109 = arith.constant 0 : i32
        %dma_wait3A_110 = tpu.memref_slice %arg10[%dma_wait3A_108, %dma_wait3A_109] : memref<10112x72xf32, #tpu.memory_space<vmem_shared>> -> memref<10112x72xf32, #tpu.memory_space<vmem_shared>>
        tpu.wait_indirect_dma semaphore(%run_scoped3A_90 : memref<!tpu.dma_semaphore, #tpu.memory_space<semaphore_mem>>) src(%dma_wait3A_104 : memref<128x72xf32, #tpu.memory_space<vmem>>) dst(%dma_wait3A_110 : memref<10112x72xf32, #tpu.memory_space<vmem_shared>>)
        tpu.yield
      }) : () -> ()
      %add3A_72 = arith.constant 1 : i32
      %add3A_73 = arith.addi %while3A_45, %add3A_72 : i32
      %lt3A = arith.cmpi slt, %add3A_73, %select_n3A_17 : i32
      %convert_element_type3A = arith.extui %lt3A : i1 to i32
      %cond3A = arith.constant 0 : i32
      %cond3A_74 = arith.cmpi ne, %convert_element_type3A, %cond3A : i32
      scf.if %cond3A_74 {
        %add3A_90 = arith.constant 2 : i32
        %add3A_91 = arith.addi %mul3A_48, %add3A_90 : i32
        %dma_start3A_92 = arith.constant 0 : i32
        %dma_start3A_93 = arith.constant 0 : i32
        %dma_start3A_94 = arith.constant 0 : i32
        %dma_start3A_95 = tpu.memref_slice %arg9[%dma_start3A_92, %dma_start3A_93, %dma_start3A_94] : memref<2x128x72xf32, #tpu.memory_space<vmem>> -> memref<1x128x72xf32, #tpu.memory_space<vmem>>
        %dma_start3A_96 = tpu.memref_squeeze %dma_start3A_95 : memref<1x128x72xf32, #tpu.memory_space<vmem>> -> memref<128x72xf32, #tpu.memory_space<vmem>>
        %dma_start3A_97 = arith.constant 0 : i32
        %dma_start3A_98 = tpu.memref_slice %arg7[%add3A_91, %dma_start3A_97] : memref<80x128xi32, #tpu.memory_space<vmem>> -> memref<1x128xi32, #tpu.memory_space<vmem>>
        %dma_start3A_99 = tpu.memref_squeeze %dma_start3A_98 : memref<1x128xi32, #tpu.memory_space<vmem>> -> memref<128xi32, #tpu.memory_space<vmem>>
        %dma_start3A_100 = arith.constant 0 : i32
        %dma_start3A_101 = arith.constant 0 : i32
        %dma_start3A_102 = tpu.memref_slice %arg11[%dma_start3A_100, %dma_start3A_101] : memref<10000x72xf32, #tpu.memory_space<vmem_shared>> -> memref<10000x72xf32, #tpu.memory_space<vmem_shared>>
        tpu.enqueue_indirect_dma source(%dma_start3A_102 : memref<10000x72xf32, #tpu.memory_space<vmem_shared>>) target(%dma_start3A_96 : memref<128x72xf32, #tpu.memory_space<vmem>>) offsets(%dma_start3A_99 : memref<128xi32, #tpu.memory_space<vmem>>) semaphore(%arg12 : memref<!tpu.dma_semaphore, #tpu.memory_space<semaphore_mem>>)
      } else {
      }
      %add3A_75 = arith.constant 1 : i32
      %add3A_76 = arith.addi %mul3A_48, %add3A_75 : i32
      %dma_wait3A_77 = arith.constant 1 : i32
      %dma_wait3A_78 = arith.constant 0 : i32
      %dma_wait3A_79 = arith.constant 0 : i32
      %dma_wait3A_80 = tpu.memref_slice %arg9[%dma_wait3A_77, %dma_wait3A_78, %dma_wait3A_79] : memref<2x128x72xf32, #tpu.memory_space<vmem>> -> memref<1x128x72xf32, #tpu.memory_space<vmem>>
      %dma_wait3A_81 = tpu.memref_squeeze %dma_wait3A_80 : memref<1x128x72xf32, #tpu.memory_space<vmem>> -> memref<128x72xf32, #tpu.memory_space<vmem>>
      %dma_wait3A_82 = arith.constant 0 : i32
      %dma_wait3A_83 = tpu.memref_slice %arg7[%add3A_76, %dma_wait3A_82] : memref<80x128xi32, #tpu.memory_space<vmem>> -> memref<1x128xi32, #tpu.memory_space<vmem>>
      %dma_wait3A_84 = tpu.memref_squeeze %dma_wait3A_83 : memref<1x128xi32, #tpu.memory_space<vmem>> -> memref<128xi32, #tpu.memory_space<vmem>>
      %dma_wait3A_85 = arith.constant 0 : i32
      %dma_wait3A_86 = arith.constant 0 : i32
      %dma_wait3A_87 = tpu.memref_slice %arg11[%dma_wait3A_85, %dma_wait3A_86] : memref<10000x72xf32, #tpu.memory_space<vmem_shared>> -> memref<10000x72xf32, #tpu.memory_space<vmem_shared>>
      tpu.wait_indirect_dma semaphore(%arg13 : memref<!tpu.dma_semaphore, #tpu.memory_space<semaphore_mem>>) src(%dma_wait3A_87 : memref<10000x72xf32, #tpu.memory_space<vmem_shared>>) dst(%dma_wait3A_81 : memref<128x72xf32, #tpu.memory_space<vmem>>)
      %run_scoped3A_88 = arith.constant 1 : i32
      "tpu.region"() ({
        %run_scoped3A_90 = tpu.sem_alloc : memref<!tpu.dma_semaphore, #tpu.memory_space<semaphore_mem>>
        %dma_start3A_91 = arith.constant 0 : i32
        %dma_start3A_92 = arith.constant 0 : i32
        %dma_start3A_93 = tpu.memref_slice %arg9[%run_scoped3A_88, %dma_start3A_91, %dma_start3A_92] : memref<2x128x72xf32, #tpu.memory_space<vmem>> -> memref<1x128x72xf32, #tpu.memory_space<vmem>>
        %dma_start3A_94 = tpu.memref_squeeze %dma_start3A_93 : memref<1x128x72xf32, #tpu.memory_space<vmem>> -> memref<128x72xf32, #tpu.memory_space<vmem>>
        %dma_start3A_95 = arith.constant 0 : i32
        %dma_start3A_96 = tpu.memref_slice %arg8[%add3A_76, %dma_start3A_95] : memref<80x128xi32, #tpu.memory_space<vmem>> -> memref<1x128xi32, #tpu.memory_space<vmem>>
        %dma_start3A_97 = tpu.memref_squeeze %dma_start3A_96 : memref<1x128xi32, #tpu.memory_space<vmem>> -> memref<128xi32, #tpu.memory_space<vmem>>
        %dma_start3A_98 = arith.constant 0 : i32
        %dma_start3A_99 = arith.constant 0 : i32
        %dma_start3A_100 = tpu.memref_slice %arg10[%dma_start3A_98, %dma_start3A_99] : memref<10112x72xf32, #tpu.memory_space<vmem_shared>> -> memref<10112x72xf32, #tpu.memory_space<vmem_shared>>
        tpu.enqueue_indirect_dma source(%dma_start3A_94 : memref<128x72xf32, #tpu.memory_space<vmem>>) target(%dma_start3A_100 : memref<10112x72xf32, #tpu.memory_space<vmem_shared>>) offsets(%dma_start3A_97 : memref<128xi32, #tpu.memory_space<vmem>>) semaphore(%run_scoped3A_90 : memref<!tpu.dma_semaphore, #tpu.memory_space<semaphore_mem>>) {add = true}
        %dma_wait3A_101 = arith.constant 0 : i32
        %dma_wait3A_102 = arith.constant 0 : i32
        %dma_wait3A_103 = tpu.memref_slice %arg9[%run_scoped3A_88, %dma_wait3A_101, %dma_wait3A_102] : memref<2x128x72xf32, #tpu.memory_space<vmem>> -> memref<1x128x72xf32, #tpu.memory_space<vmem>>
        %dma_wait3A_104 = tpu.memref_squeeze %dma_wait3A_103 : memref<1x128x72xf32, #tpu.memory_space<vmem>> -> memref<128x72xf32, #tpu.memory_space<vmem>>
        %dma_wait3A_105 = arith.constant 0 : i32
        %dma_wait3A_106 = tpu.memref_slice %arg8[%add3A_76, %dma_wait3A_105] : memref<80x128xi32, #tpu.memory_space<vmem>> -> memref<1x128xi32, #tpu.memory_space<vmem>>
        %dma_wait3A_107 = tpu.memref_squeeze %dma_wait3A_106 : memref<1x128xi32, #tpu.memory_space<vmem>> -> memref<128xi32, #tpu.memory_space<vmem>>
        %dma_wait3A_108 = arith.constant 0 : i32
        %dma_wait3A_109 = arith.constant 0 : i32
        %dma_wait3A_110 = tpu.memref_slice %arg10[%dma_wait3A_108, %dma_wait3A_109] : memref<10112x72xf32, #tpu.memory_space<vmem_shared>> -> memref<10112x72xf32, #tpu.memory_space<vmem_shared>>
        tpu.wait_indirect_dma semaphore(%run_scoped3A_90 : memref<!tpu.dma_semaphore, #tpu.memory_space<semaphore_mem>>) src(%dma_wait3A_104 : memref<128x72xf32, #tpu.memory_space<vmem>>) dst(%dma_wait3A_110 : memref<10112x72xf32, #tpu.memory_space<vmem_shared>>)
        tpu.yield
      }) : () -> ()
      %while3A_89 = arith.constant 0 : i32
      scf.yield %while3A_89 : i32
    }
    %while3A_38 = arith.constant 1 : i32
    %while3A_39 = scf.for %while3A_45 = %while3A_35 to %while3A_31 step %while3A_38 iter_args(%while3A_46 = %while3A_37) -> (i32)  : i32 {
      %mul3A_47 = arith.constant 2 : i32
      %mul3A_48 = arith.muli %mul3A_47, %while3A_45 : i32
      %add3A_49 = arith.constant 1 : i32
      %add3A_50 = arith.addi %mul3A_48, %add3A_49 : i32
      %dma_start3A_51 = arith.constant 1 : i32
      %dma_start3A_52 = arith.constant 0 : i32
      %dma_start3A_53 = arith.constant 0 : i32
      %dma_start3A_54 = tpu.memref_slice %arg9[%dma_start3A_51, %dma_start3A_52, %dma_start3A_53] : memref<2x128x72xf32, #tpu.memory_space<vmem>> -> memref<1x128x72xf32, #tpu.memory_space<vmem>>
      %dma_start3A_55 = tpu.memref_squeeze %dma_start3A_54 : memref<1x128x72xf32, #tpu.memory_space<vmem>> -> memref<128x72xf32, #tpu.memory_space<vmem>>
      %dma_start3A_56 = arith.constant 0 : i32
      %dma_start3A_57 = tpu.memref_slice %arg7[%add3A_50, %dma_start3A_56] : memref<80x128xi32, #tpu.memory_space<vmem>> -> memref<1x128xi32, #tpu.memory_space<vmem>>
      %dma_start3A_58 = tpu.memref_squeeze %dma_start3A_57 : memref<1x128xi32, #tpu.memory_space<vmem>> -> memref<128xi32, #tpu.memory_space<vmem>>
      %dma_start3A_59 = arith.constant 0 : i32
      %dma_start3A_60 = arith.constant 0 : i32
      %dma_start3A_61 = tpu.memref_slice %arg11[%dma_start3A_59, %dma_start3A_60] : memref<10000x72xf32, #tpu.memory_space<vmem_shared>> -> memref<10000x72xf32, #tpu.memory_space<vmem_shared>>
      tpu.enqueue_indirect_dma source(%dma_start3A_61 : memref<10000x72xf32, #tpu.memory_space<vmem_shared>>) target(%dma_start3A_55 : memref<128x72xf32, #tpu.memory_space<vmem>>) offsets(%dma_start3A_58 : memref<128xi32, #tpu.memory_space<vmem>>) semaphore(%arg13 : memref<!tpu.dma_semaphore, #tpu.memory_space<semaphore_mem>>)
      %dma_wait3A = arith.constant 0 : i32
      %dma_wait3A_62 = arith.constant 0 : i32
      %dma_wait3A_63 = arith.constant 0 : i32
      %dma_wait3A_64 = tpu.memref_slice %arg9[%dma_wait3A, %dma_wait3A_62, %dma_wait3A_63] : memref<2x128x72xf32, #tpu.memory_space<vmem>> -> memref<1x128x72xf32, #tpu.memory_space<vmem>>
      %dma_wait3A_65 = tpu.memref_squeeze %dma_wait3A_64 : memref<1x128x72xf32, #tpu.memory_space<vmem>> -> memref<128x72xf32, #tpu.memory_space<vmem>>
      %dma_wait3A_66 = arith.constant 0 : i32
      %dma_wait3A_67 = tpu.memref_slice %arg7[%mul3A_48, %dma_wait3A_66] : memref<80x128xi32, #tpu.memory_space<vmem>> -> memref<1x128xi32, #tpu.memory_space<vmem>>
      %dma_wait3A_68 = tpu.memref_squeeze %dma_wait3A_67 : memref<1x128xi32, #tpu.memory_space<vmem>> -> memref<128xi32, #tpu.memory_space<vmem>>
      %dma_wait3A_69 = arith.constant 0 : i32
      %dma_wait3A_70 = arith.constant 0 : i32
      %dma_wait3A_71 = tpu.memref_slice %arg11[%dma_wait3A_69, %dma_wait3A_70] : memref<10000x72xf32, #tpu.memory_space<vmem_shared>> -> memref<10000x72xf32, #tpu.memory_space<vmem_shared>>
      tpu.wait_indirect_dma semaphore(%arg12 : memref<!tpu.dma_semaphore, #tpu.memory_space<semaphore_mem>>) src(%dma_wait3A_71 : memref<10000x72xf32, #tpu.memory_space<vmem_shared>>) dst(%dma_wait3A_65 : memref<128x72xf32, #tpu.memory_space<vmem>>)
      %run_scoped3A = arith.constant 0 : i32
      "tpu.region"() ({
        %run_scoped3A_90 = tpu.sem_alloc : memref<!tpu.dma_semaphore, #tpu.memory_space<semaphore_mem>>
        %dma_start3A_91 = arith.constant 0 : i32
        %dma_start3A_92 = arith.constant 0 : i32
        %dma_start3A_93 = tpu.memref_slice %arg9[%run_scoped3A, %dma_start3A_91, %dma_start3A_92] : memref<2x128x72xf32, #tpu.memory_space<vmem>> -> memref<1x128x72xf32, #tpu.memory_space<vmem>>
        %dma_start3A_94 = tpu.memref_squeeze %dma_start3A_93 : memref<1x128x72xf32, #tpu.memory_space<vmem>> -> memref<128x72xf32, #tpu.memory_space<vmem>>
        %dma_start3A_95 = arith.constant 0 : i32
        %dma_start3A_96 = tpu.memref_slice %arg8[%mul3A_48, %dma_start3A_95] : memref<80x128xi32, #tpu.memory_space<vmem>> -> memref<1x128xi32, #tpu.memory_space<vmem>>
        %dma_start3A_97 = tpu.memref_squeeze %dma_start3A_96 : memref<1x128xi32, #tpu.memory_space<vmem>> -> memref<128xi32, #tpu.memory_space<vmem>>
        %dma_start3A_98 = arith.constant 0 : i32
        %dma_start3A_99 = arith.constant 0 : i32
        %dma_start3A_100 = tpu.memref_slice %arg10[%dma_start3A_98, %dma_start3A_99] : memref<10112x72xf32, #tpu.memory_space<vmem_shared>> -> memref<10112x72xf32, #tpu.memory_space<vmem_shared>>
        tpu.enqueue_indirect_dma source(%dma_start3A_94 : memref<128x72xf32, #tpu.memory_space<vmem>>) target(%dma_start3A_100 : memref<10112x72xf32, #tpu.memory_space<vmem_shared>>) offsets(%dma_start3A_97 : memref<128xi32, #tpu.memory_space<vmem>>) semaphore(%run_scoped3A_90 : memref<!tpu.dma_semaphore, #tpu.memory_space<semaphore_mem>>) {add = true}
        %dma_wait3A_101 = arith.constant 0 : i32
        %dma_wait3A_102 = arith.constant 0 : i32
        %dma_wait3A_103 = tpu.memref_slice %arg9[%run_scoped3A, %dma_wait3A_101, %dma_wait3A_102] : memref<2x128x72xf32, #tpu.memory_space<vmem>> -> memref<1x128x72xf32, #tpu.memory_space<vmem>>
        %dma_wait3A_104 = tpu.memref_squeeze %dma_wait3A_103 : memref<1x128x72xf32, #tpu.memory_space<vmem>> -> memref<128x72xf32, #tpu.memory_space<vmem>>
        %dma_wait3A_105 = arith.constant 0 : i32
        %dma_wait3A_106 = tpu.memref_slice %arg8[%mul3A_48, %dma_wait3A_105] : memref<80x128xi32, #tpu.memory_space<vmem>> -> memref<1x128xi32, #tpu.memory_space<vmem>>
        %dma_wait3A_107 = tpu.memref_squeeze %dma_wait3A_106 : memref<1x128xi32, #tpu.memory_space<vmem>> -> memref<128xi32, #tpu.memory_space<vmem>>
        %dma_wait3A_108 = arith.constant 0 : i32
        %dma_wait3A_109 = arith.constant 0 : i32
        %dma_wait3A_110 = tpu.memref_slice %arg10[%dma_wait3A_108, %dma_wait3A_109] : memref<10112x72xf32, #tpu.memory_space<vmem_shared>> -> memref<10112x72xf32, #tpu.memory_space<vmem_shared>>
        tpu.wait_indirect_dma semaphore(%run_scoped3A_90 : memref<!tpu.dma_semaphore, #tpu.memory_space<semaphore_mem>>) src(%dma_wait3A_104 : memref<128x72xf32, #tpu.memory_space<vmem>>) dst(%dma_wait3A_110 : memref<10112x72xf32, #tpu.memory_space<vmem_shared>>)
        tpu.yield
      }) : () -> ()
      %add3A_72 = arith.constant 1 : i32
      %add3A_73 = arith.addi %while3A_45, %add3A_72 : i32
      %lt3A = arith.cmpi slt, %add3A_73, %select_n3A_17 : i32
      %convert_element_type3A = arith.extui %lt3A : i1 to i32
      %cond3A = arith.constant 0 : i32
      %cond3A_74 = arith.cmpi ne, %convert_element_type3A, %cond3A : i32
      scf.if %cond3A_74 {
        %add3A_90 = arith.constant 2 : i32
        %add3A_91 = arith.addi %mul3A_48, %add3A_90 : i32
        %dma_start3A_92 = arith.constant 0 : i32
        %dma_start3A_93 = arith.constant 0 : i32
        %dma_start3A_94 = arith.constant 0 : i32
        %dma_start3A_95 = tpu.memref_slice %arg9[%dma_start3A_92, %dma_start3A_93, %dma_start3A_94] : memref<2x128x72xf32, #tpu.memory_space<vmem>> -> memref<1x128x72xf32, #tpu.memory_space<vmem>>
        %dma_start3A_96 = tpu.memref_squeeze %dma_start3A_95 : memref<1x128x72xf32, #tpu.memory_space<vmem>> -> memref<128x72xf32, #tpu.memory_space<vmem>>
        %dma_start3A_97 = arith.constant 0 : i32
        %dma_start3A_98 = tpu.memref_slice %arg7[%add3A_91, %dma_start3A_97] : memref<80x128xi32, #tpu.memory_space<vmem>> -> memref<1x128xi32, #tpu.memory_space<vmem>>
        %dma_start3A_99 = tpu.memref_squeeze %dma_start3A_98 : memref<1x128xi32, #tpu.memory_space<vmem>> -> memref<128xi32, #tpu.memory_space<vmem>>
        %dma_start3A_100 = arith.constant 0 : i32
        %dma_start3A_101 = arith.constant 0 : i32
        %dma_start3A_102 = tpu.memref_slice %arg11[%dma_start3A_100, %dma_start3A_101] : memref<10000x72xf32, #tpu.memory_space<vmem_shared>> -> memref<10000x72xf32, #tpu.memory_space<vmem_shared>>
        tpu.enqueue_indirect_dma source(%dma_start3A_102 : memref<10000x72xf32, #tpu.memory_space<vmem_shared>>) target(%dma_start3A_96 : memref<128x72xf32, #tpu.memory_space<vmem>>) offsets(%dma_start3A_99 : memref<128xi32, #tpu.memory_space<vmem>>) semaphore(%arg12 : memref<!tpu.dma_semaphore, #tpu.memory_space<semaphore_mem>>)
      } else {
      }
      %add3A_75 = arith.constant 1 : i32
      %add3A_76 = arith.addi %mul3A_48, %add3A_75 : i32
      %dma_wait3A_77 = arith.constant 1 : i32
      %dma_wait3A_78 = arith.constant 0 : i32
      %dma_wait3A_79 = arith.constant 0 : i32
      %dma_wait3A_80 = tpu.memref_slice %arg9[%dma_wait3A_77, %dma_wait3A_78, %dma_wait3A_79] : memref<2x128x72xf32, #tpu.memory_space<vmem>> -> memref<1x128x72xf32, #tpu.memory_space<vmem>>
      %dma_wait3A_81 = tpu.memref_squeeze %dma_wait3A_80 : memref<1x128x72xf32, #tpu.memory_space<vmem>> -> memref<128x72xf32, #tpu.memory_space<vmem>>
      %dma_wait3A_82 = arith.constant 0 : i32
      %dma_wait3A_83 = tpu.memref_slice %arg7[%add3A_76, %dma_wait3A_82] : memref<80x128xi32, #tpu.memory_space<vmem>> -> memref<1x128xi32, #tpu.memory_space<vmem>>
      %dma_wait3A_84 = tpu.memref_squeeze %dma_wait3A_83 : memref<1x128xi32, #tpu.memory_space<vmem>> -> memref<128xi32, #tpu.memory_space<vmem>>
      %dma_wait3A_85 = arith.constant 0 : i32
      %dma_wait3A_86 = arith.constant 0 : i32
      %dma_wait3A_87 = tpu.memref_slice %arg11[%dma_wait3A_85, %dma_wait3A_86] : memref<10000x72xf32, #tpu.memory_space<vmem_shared>> -> memref<10000x72xf32, #tpu.memory_space<vmem_shared>>
      tpu.wait_indirect_dma semaphore(%arg13 : memref<!tpu.dma_semaphore, #tpu.memory_space<semaphore_mem>>) src(%dma_wait3A_87 : memref<10000x72xf32, #tpu.memory_space<vmem_shared>>) dst(%dma_wait3A_81 : memref<128x72xf32, #tpu.memory_space<vmem>>)
      %run_scoped3A_88 = arith.constant 1 : i32
      "tpu.region"() ({
        %run_scoped3A_90 = tpu.sem_alloc : memref<!tpu.dma_semaphore, #tpu.memory_space<semaphore_mem>>
        %dma_start3A_91 = arith.constant 0 : i32
        %dma_start3A_92 = arith.constant 0 : i32
        %dma_start3A_93 = tpu.memref_slice %arg9[%run_scoped3A_88, %dma_start3A_91, %dma_start3A_92] : memref<2x128x72xf32, #tpu.memory_space<vmem>> -> memref<1x128x72xf32, #tpu.memory_space<vmem>>
        %dma_start3A_94 = tpu.memref_squeeze %dma_start3A_93 : memref<1x128x72xf32, #tpu.memory_space<vmem>> -> memref<128x72xf32, #tpu.memory_space<vmem>>
        %dma_start3A_95 = arith.constant 0 : i32
        %dma_start3A_96 = tpu.memref_slice %arg8[%add3A_76, %dma_start3A_95] : memref<80x128xi32, #tpu.memory_space<vmem>> -> memref<1x128xi32, #tpu.memory_space<vmem>>
        %dma_start3A_97 = tpu.memref_squeeze %dma_start3A_96 : memref<1x128xi32, #tpu.memory_space<vmem>> -> memref<128xi32, #tpu.memory_space<vmem>>
        %dma_start3A_98 = arith.constant 0 : i32
        %dma_start3A_99 = arith.constant 0 : i32
        %dma_start3A_100 = tpu.memref_slice %arg10[%dma_start3A_98, %dma_start3A_99] : memref<10112x72xf32, #tpu.memory_space<vmem_shared>> -> memref<10112x72xf32, #tpu.memory_space<vmem_shared>>
        tpu.enqueue_indirect_dma source(%dma_start3A_94 : memref<128x72xf32, #tpu.memory_space<vmem>>) target(%dma_start3A_100 : memref<10112x72xf32, #tpu.memory_space<vmem_shared>>) offsets(%dma_start3A_97 : memref<128xi32, #tpu.memory_space<vmem>>) semaphore(%run_scoped3A_90 : memref<!tpu.dma_semaphore, #tpu.memory_space<semaphore_mem>>) {add = true}
        %dma_wait3A_101 = arith.constant 0 : i32
        %dma_wait3A_102 = arith.constant 0 : i32
        %dma_wait3A_103 = tpu.memref_slice %arg9[%run_scoped3A_88, %dma_wait3A_101, %dma_wait3A_102] : memref<2x128x72xf32, #tpu.memory_space<vmem>> -> memref<1x128x72xf32, #tpu.memory_space<vmem>>
        %dma_wait3A_104 = tpu.memref_squeeze %dma_wait3A_103 : memref<1x128x72xf32, #tpu.memory_space<vmem>> -> memref<128x72xf32, #tpu.memory_space<vmem>>
        %dma_wait3A_105 = arith.constant 0 : i32
        %dma_wait3A_106 = tpu.memref_slice %arg8[%add3A_76, %dma_wait3A_105] : memref<80x128xi32, #tpu.memory_space<vmem>> -> memref<1x128xi32, #tpu.memory_space<vmem>>
        %dma_wait3A_107 = tpu.memref_squeeze %dma_wait3A_106 : memref<1x128xi32, #tpu.memory_space<vmem>> -> memref<128xi32, #tpu.memory_space<vmem>>
        %dma_wait3A_108 = arith.constant 0 : i32
        %dma_wait3A_109 = arith.constant 0 : i32
        %dma_wait3A_110 = tpu.memref_slice %arg10[%dma_wait3A_108, %dma_wait3A_109] : memref<10112x72xf32, #tpu.memory_space<vmem_shared>> -> memref<10112x72xf32, #tpu.memory_space<vmem_shared>>
        tpu.wait_indirect_dma semaphore(%run_scoped3A_90 : memref<!tpu.dma_semaphore, #tpu.memory_space<semaphore_mem>>) src(%dma_wait3A_104 : memref<128x72xf32, #tpu.memory_space<vmem>>) dst(%dma_wait3A_110 : memref<10112x72xf32, #tpu.memory_space<vmem_shared>>)
        tpu.yield
      }) : () -> ()
      %while3A_89 = arith.constant 0 : i32
      scf.yield %while3A_89 : i32
    }
    %barrier3A_40 = arith.constant 0 : index
    tpu.barrier barrier_id(%barrier3A_40)
    %mul3A_41 = arith.constant 632 : i32
    %mul3A_42 = arith.muli %arg1, %mul3A_41 : i32
    %mul3A_43 = arith.constant 632 : i32
    %mul3A_44 = arith.muli %arg1, %mul3A_43 : i32
    "tpu.region"() ({
      %run_scoped3A = tpu.sem_alloc : memref<!tpu.dma_semaphore, #tpu.memory_space<semaphore_mem>>
      %dma_start3A_45 = arith.constant 0 : i32
      %dma_start3A_46 = tpu.memref_slice %arg6[%arg0, %mul3A_44, %dma_start3A_45] : memref<2x10112x72xf32, #tpu.memory_space<hbm>> -> memref<1x632x72xf32, #tpu.memory_space<hbm>>
      %dma_start3A_47 = tpu.memref_squeeze %dma_start3A_46 : memref<1x632x72xf32, #tpu.memory_space<hbm>> -> memref<632x72xf32, #tpu.memory_space<hbm>>
      %dma_start3A_48 = arith.constant 0 : i32
      %dma_start3A_49 = tpu.memref_slice %arg10[%mul3A_42, %dma_start3A_48] : memref<10112x72xf32, #tpu.memory_space<vmem_shared>> -> memref<632x72xf32, #tpu.memory_space<vmem_shared>>
      tpu.enqueue_dma source(%dma_start3A_49 : memref<632x72xf32, #tpu.memory_space<vmem_shared>>) target(%dma_start3A_47 : memref<632x72xf32, #tpu.memory_space<hbm>>) target_semaphore(%run_scoped3A : memref<!tpu.dma_semaphore, #tpu.memory_space<semaphore_mem>>)
      %dma_wait3A = arith.constant 0 : i32
      %dma_wait3A_50 = tpu.memref_slice %arg6[%arg0, %mul3A_44, %dma_wait3A] : memref<2x10112x72xf32, #tpu.memory_space<hbm>> -> memref<1x632x72xf32, #tpu.memory_space<hbm>>
      %dma_wait3A_51 = tpu.memref_squeeze %dma_wait3A_50 : memref<1x632x72xf32, #tpu.memory_space<hbm>> -> memref<632x72xf32, #tpu.memory_space<hbm>>
      %dma_wait3A_52 = arith.constant 0 : i32
      %dma_wait3A_53 = tpu.memref_slice %arg10[%mul3A_42, %dma_wait3A_52] : memref<10112x72xf32, #tpu.memory_space<vmem_shared>> -> memref<632x72xf32, #tpu.memory_space<vmem_shared>>
      tpu.wait_dma2 semaphore(%run_scoped3A : memref<!tpu.dma_semaphore, #tpu.memory_space<semaphore_mem>>) src(%dma_wait3A_53 : memref<632x72xf32, #tpu.memory_space<vmem_shared>>) dst(%dma_wait3A_51 : memref<632x72xf32, #tpu.memory_space<hbm>>)
      tpu.yield
    }) : () -> ()
    return
  }
}

module attributes {stable_mosaic.version = 14 : i64} {
  func.func @body(%arg0: i32, %arg1: memref<2000x1xf32, #tpu.memory_space<vmem>>, %arg2: memref<2000x72xf32, #tpu.memory_space<vmem>>, %arg3: memref<2000x72xf32, #tpu.memory_space<vmem>>, %arg4: memref<2000x64xf32, #tpu.memory_space<vmem>>, %arg5: memref<1x1xf32, #tpu.memory_space<smem>>, %arg6: memref<1x256xf32, #tpu.memory_space<vmem>>, %arg7: memref<64x256xf32, #tpu.memory_space<vmem>>, %arg8: memref<1x256xf32, #tpu.memory_space<vmem>>, %arg9: memref<256x256xf32, #tpu.memory_space<vmem>>, %arg10: memref<1x256xf32, #tpu.memory_space<vmem>>, %arg11: memref<256x64xf32, #tpu.memory_space<vmem>>, %arg12: memref<1x64xf32, #tpu.memory_space<vmem>>, %arg13: memref<64x256xf32, #tpu.memory_space<vmem>>, %arg14: memref<64x256xf32, #tpu.memory_space<vmem>>, %arg15: memref<1x256xf32, #tpu.memory_space<vmem>>, %arg16: memref<256x256xf32, #tpu.memory_space<vmem>>, %arg17: memref<1x256xf32, #tpu.memory_space<vmem>>, %arg18: memref<256x64xf32, #tpu.memory_space<vmem>>, %arg19: memref<1x64xf32, #tpu.memory_space<vmem>>, %arg20: memref<2000x64xf32, #tpu.memory_space<vmem>>, %arg21: memref<2000x64xf32, #tpu.memory_space<vmem>>) attributes {dimension_semantics = [#tpu.dimension_semantics<arbitrary>], iteration_bounds = array<i64: 5>, scalar_prefetch = 0 : i64, scratch_operands = 0 : i64, tpu.core_type = #tpu.core_type<tc>, window_params = [{transform_indices = @transform_0, window_bounds = array<i64: 2000, 1>}, {transform_indices = @transform_1, window_bounds = array<i64: 2000, 72>}, {transform_indices = @transform_2, window_bounds = array<i64: 2000, 72>}, {transform_indices = @transform_3, window_bounds = array<i64: 2000, 64>}, {transform_indices = @transform_4, window_bounds = array<i64: 1, 1>}, {pipeline_mode = #tpu.pipeline_mode<synchronous>, transform_indices = @transform_5, window_bounds = array<i64: 1, 256>}, {pipeline_mode = #tpu.pipeline_mode<synchronous>, transform_indices = @transform_6, window_bounds = array<i64: 64, 256>}, {pipeline_mode = #tpu.pipeline_mode<synchronous>, transform_indices = @transform_7, window_bounds = array<i64: 1, 256>}, {pipeline_mode = #tpu.pipeline_mode<synchronous>, transform_indices = @transform_8, window_bounds = array<i64: 256, 256>}, {pipeline_mode = #tpu.pipeline_mode<synchronous>, transform_indices = @transform_9, window_bounds = array<i64: 1, 256>}, {pipeline_mode = #tpu.pipeline_mode<synchronous>, transform_indices = @transform_10, window_bounds = array<i64: 256, 64>}, {pipeline_mode = #tpu.pipeline_mode<synchronous>, transform_indices = @transform_11, window_bounds = array<i64: 1, 64>}, {pipeline_mode = #tpu.pipeline_mode<synchronous>, transform_indices = @transform_12, window_bounds = array<i64: 64, 256>}, {pipeline_mode = #tpu.pipeline_mode<synchronous>, transform_indices = @transform_13, window_bounds = array<i64: 64, 256>}, {pipeline_mode = #tpu.pipeline_mode<synchronous>, transform_indices = @transform_14, window_bounds = array<i64: 1, 256>}, {pipeline_mode = #tpu.pipeline_mode<synchronous>, transform_indices = @transform_15, window_bounds = array<i64: 256, 256>}, {pipeline_mode = #tpu.pipeline_mode<synchronous>, transform_indices = @transform_16, window_bounds = array<i64: 1, 256>}, {pipeline_mode = #tpu.pipeline_mode<synchronous>, transform_indices = @transform_17, window_bounds = array<i64: 256, 64>}, {pipeline_mode = #tpu.pipeline_mode<synchronous>, transform_indices = @transform_18, window_bounds = array<i64: 1, 64>}, {transform_indices = @transform_19, window_bounds = array<i64: 2000, 64>}, {transform_indices = @transform_20, window_bounds = array<i64: 2000, 64>}]} {
    %get3A = arith.constant 0 : index
    %get3A_0 = arith.constant 0 : index
    %get3A_1 = memref.load %arg5[%get3A, %get3A_0] : memref<1x1xf32, #tpu.memory_space<smem>>
    %add3A = arith.constant 1.000000e+00 : f32
    %add3A_2 = arith.addf %add3A, %get3A_1 : f32
    %get3A_3 = arith.constant 0 : index
    %get3A_4 = arith.constant 0 : index
    %get3A_5 = vector.load %arg4[%get3A_3, %get3A_4] : memref<2000x64xf32, #tpu.memory_space<vmem>>, vector<2000x64xf32>
    %mul3A = vector.broadcast %add3A_2 : f32 to vector<2000x64xf32>
    %mul3A_6 = arith.mulf %mul3A, %get3A_5 : vector<2000x64xf32>
    %get3A_7 = arith.constant 0 : index
    %get3A_8 = arith.constant 0 : index
    %get3A_9 = vector.load %arg2[%get3A_7, %get3A_8] : memref<2000x72xf32, #tpu.memory_space<vmem>>, vector<2000x64xf32>
    %add3A_10 = arith.addf %mul3A_6, %get3A_9 : vector<2000x64xf32>
    %get3A_11 = arith.constant 0 : index
    %get3A_12 = arith.constant 0 : index
    %get3A_13 = vector.load %arg3[%get3A_11, %get3A_12] : memref<2000x72xf32, #tpu.memory_space<vmem>>, vector<2000x64xf32>
    %add3A_14 = arith.addf %add3A_10, %get3A_13 : vector<2000x64xf32>
    %get3A_15 = arith.constant 0 : index
    %get3A_16 = arith.constant 0 : index
    %get3A_17 = vector.load %arg1[%get3A_15, %get3A_16] : memref<2000x1xf32, #tpu.memory_space<vmem>>, vector<2000x1xf32>
    %mul3A_18 = vector.broadcast %add3A_2 : f32 to vector<2000x1xf32>
    %mul3A_19 = arith.mulf %mul3A_18, %get3A_17 : vector<2000x1xf32>
    %get3A_20 = arith.constant 0 : index
    %get3A_21 = arith.constant 64 : index
    %get3A_22 = vector.load %arg2[%get3A_20, %get3A_21] : memref<2000x72xf32, #tpu.memory_space<vmem>>, vector<2000x1xf32>
    %add3A_23 = arith.addf %mul3A_19, %get3A_22 : vector<2000x1xf32>
    %get3A_24 = arith.constant 0 : index
    %get3A_25 = arith.constant 64 : index
    %get3A_26 = vector.load %arg3[%get3A_24, %get3A_25] : memref<2000x72xf32, #tpu.memory_space<vmem>>, vector<2000x1xf32>
    %add3A_27 = arith.addf %add3A_23, %get3A_26 : vector<2000x1xf32>
    %swap3A = arith.constant 0 : index
    %swap3A_28 = arith.constant 0 : index
    %swap3A_29 = vector.load %arg21[%swap3A, %swap3A_28] : memref<2000x64xf32, #tpu.memory_space<vmem>>, vector<2000x64xf32>
    tpu.vector_store %arg21[%swap3A, %swap3A_28], %add3A_14 {strides = array<i32>} : memref<2000x64xf32, #tpu.memory_space<vmem>>, vector<2000x64xf32>,
    %get3A_30 = arith.constant 0 : index
    %get3A_31 = arith.constant 0 : index
    %get3A_32 = vector.load %arg6[%get3A_30, %get3A_31] : memref<1x256xf32, #tpu.memory_space<vmem>>, vector<1x256xf32>
    %mul3A_33 = vector.broadcast %add3A_27 : vector<2000x1xf32> to vector<2000x256xf32>
    %mul3A_34 = vector.broadcast %get3A_32 : vector<1x256xf32> to vector<2000x256xf32>
    %mul3A_35 = arith.mulf %mul3A_33, %mul3A_34 : vector<2000x256xf32>
    %get3A_36 = arith.constant 0 : index
    %get3A_37 = arith.constant 0 : index
    %get3A_38 = vector.load %arg7[%get3A_36, %get3A_37] : memref<64x256xf32, #tpu.memory_space<vmem>>, vector<64x256xf32>
    %dot_general3A = arith.constant dense<0.000000e+00> : vector<2000x256xf32>
    %dot_general3A_39 = tpu.matmul %add3A_14, %get3A_38, %dot_general3A {dimension_numbers = #tpu.dot_dimension_numbers<[1], [0], [0], [1], [0, 0, 1, 1], [], []>, transpose_lhs_hint = false} : vector<2000x64xf32>, vector<64x256xf32>, vector<2000x256xf32> -> vector<2000x256xf32>
    %add3A_40 = arith.addf %mul3A_35, %dot_general3A_39 : vector<2000x256xf32>
    %get3A_41 = arith.constant 0 : index
    %get3A_42 = arith.constant 0 : index
    %get3A_43 = vector.load %arg8[%get3A_41, %get3A_42] : memref<1x256xf32, #tpu.memory_space<vmem>>, vector<1x256xf32>
    %add3A_44 = vector.broadcast %get3A_43 : vector<1x256xf32> to vector<2000x256xf32>
    %add3A_45 = arith.addf %add3A_40, %add3A_44 : vector<2000x256xf32>
    %max3A = arith.constant 0.000000e+00 : f32
    %max3A_46 = vector.broadcast %max3A : f32 to vector<2000x256xf32>
    %max3A_47 = arith.maximumf %add3A_45, %max3A_46 : vector<2000x256xf32>
    %get3A_48 = arith.constant 0 : index
    %get3A_49 = arith.constant 0 : index
    %get3A_50 = vector.load %arg9[%get3A_48, %get3A_49] : memref<256x256xf32, #tpu.memory_space<vmem>>, vector<256x256xf32>
    %dot_general3A_51 = arith.constant dense<0.000000e+00> : vector<2000x256xf32>
    %dot_general3A_52 = tpu.matmul %max3A_47, %get3A_50, %dot_general3A_51 {dimension_numbers = #tpu.dot_dimension_numbers<[1], [0], [0], [1], [0, 0, 1, 1], [], []>, transpose_lhs_hint = false} : vector<2000x256xf32>, vector<256x256xf32>, vector<2000x256xf32> -> vector<2000x256xf32>
    %get3A_53 = arith.constant 0 : index
    %get3A_54 = arith.constant 0 : index
    %get3A_55 = vector.load %arg10[%get3A_53, %get3A_54] : memref<1x256xf32, #tpu.memory_space<vmem>>, vector<1x256xf32>
    %add3A_56 = vector.broadcast %get3A_55 : vector<1x256xf32> to vector<2000x256xf32>
    %add3A_57 = arith.addf %dot_general3A_52, %add3A_56 : vector<2000x256xf32>
    %max3A_58 = arith.constant 0.000000e+00 : f32
    %max3A_59 = vector.broadcast %max3A_58 : f32 to vector<2000x256xf32>
    %max3A_60 = arith.maximumf %add3A_57, %max3A_59 : vector<2000x256xf32>
    %get3A_61 = arith.constant 0 : index
    %get3A_62 = arith.constant 0 : index
    %get3A_63 = vector.load %arg11[%get3A_61, %get3A_62] : memref<256x64xf32, #tpu.memory_space<vmem>>, vector<256x64xf32>
    %dot_general3A_64 = arith.constant dense<0.000000e+00> : vector<2000x64xf32>
    %dot_general3A_65 = tpu.matmul %max3A_60, %get3A_63, %dot_general3A_64 {dimension_numbers = #tpu.dot_dimension_numbers<[1], [0], [0], [1], [0, 0, 1, 1], [], []>, transpose_lhs_hint = false} : vector<2000x256xf32>, vector<256x64xf32>, vector<2000x64xf32> -> vector<2000x64xf32>
    %get3A_66 = arith.constant 0 : index
    %get3A_67 = arith.constant 0 : index
    %get3A_68 = vector.load %arg12[%get3A_66, %get3A_67] : memref<1x64xf32, #tpu.memory_space<vmem>>, vector<1x64xf32>
    %add3A_69 = vector.broadcast %get3A_68 : vector<1x64xf32> to vector<2000x64xf32>
    %add3A_70 = arith.addf %dot_general3A_65, %add3A_69 : vector<2000x64xf32>
    %max3A_71 = arith.constant 0.000000e+00 : f32
    %max3A_72 = vector.broadcast %max3A_71 : f32 to vector<2000x64xf32>
    %max3A_73 = arith.maximumf %add3A_70, %max3A_72 : vector<2000x64xf32>
    %get3A_74 = arith.constant 0 : index
    %get3A_75 = arith.constant 0 : index
    %get3A_76 = vector.load %arg13[%get3A_74, %get3A_75] : memref<64x256xf32, #tpu.memory_space<vmem>>, vector<64x256xf32>
    %dot_general3A_77 = arith.constant dense<0.000000e+00> : vector<2000x256xf32>
    %dot_general3A_78 = tpu.matmul %max3A_73, %get3A_76, %dot_general3A_77 {dimension_numbers = #tpu.dot_dimension_numbers<[1], [0], [0], [1], [0, 0, 1, 1], [], []>, transpose_lhs_hint = false} : vector<2000x64xf32>, vector<64x256xf32>, vector<2000x256xf32> -> vector<2000x256xf32>
    %get3A_79 = arith.constant 0 : index
    %get3A_80 = arith.constant 0 : index
    %get3A_81 = vector.load %arg4[%get3A_79, %get3A_80] : memref<2000x64xf32, #tpu.memory_space<vmem>>, vector<2000x64xf32>
    %get3A_82 = arith.constant 0 : index
    %get3A_83 = arith.constant 0 : index
    %get3A_84 = vector.load %arg14[%get3A_82, %get3A_83] : memref<64x256xf32, #tpu.memory_space<vmem>>, vector<64x256xf32>
    %dot_general3A_85 = arith.constant dense<0.000000e+00> : vector<2000x256xf32>
    %dot_general3A_86 = tpu.matmul %get3A_81, %get3A_84, %dot_general3A_85 {dimension_numbers = #tpu.dot_dimension_numbers<[1], [0], [0], [1], [0, 0, 1, 1], [], []>, transpose_lhs_hint = false} : vector<2000x64xf32>, vector<64x256xf32>, vector<2000x256xf32> -> vector<2000x256xf32>
    %add3A_87 = arith.addf %dot_general3A_78, %dot_general3A_86 : vector<2000x256xf32>
    %get3A_88 = arith.constant 0 : index
    %get3A_89 = arith.constant 0 : index
    %get3A_90 = vector.load %arg15[%get3A_88, %get3A_89] : memref<1x256xf32, #tpu.memory_space<vmem>>, vector<1x256xf32>
    %add3A_91 = vector.broadcast %get3A_90 : vector<1x256xf32> to vector<2000x256xf32>
    %add3A_92 = arith.addf %add3A_87, %add3A_91 : vector<2000x256xf32>
    %max3A_93 = arith.constant 0.000000e+00 : f32
    %max3A_94 = vector.broadcast %max3A_93 : f32 to vector<2000x256xf32>
    %max3A_95 = arith.maximumf %add3A_92, %max3A_94 : vector<2000x256xf32>
    %get3A_96 = arith.constant 0 : index
    %get3A_97 = arith.constant 0 : index
    %get3A_98 = vector.load %arg16[%get3A_96, %get3A_97] : memref<256x256xf32, #tpu.memory_space<vmem>>, vector<256x256xf32>
    %dot_general3A_99 = arith.constant dense<0.000000e+00> : vector<2000x256xf32>
    %dot_general3A_100 = tpu.matmul %max3A_95, %get3A_98, %dot_general3A_99 {dimension_numbers = #tpu.dot_dimension_numbers<[1], [0], [0], [1], [0, 0, 1, 1], [], []>, transpose_lhs_hint = false} : vector<2000x256xf32>, vector<256x256xf32>, vector<2000x256xf32> -> vector<2000x256xf32>
    %get3A_101 = arith.constant 0 : index
    %get3A_102 = arith.constant 0 : index
    %get3A_103 = vector.load %arg17[%get3A_101, %get3A_102] : memref<1x256xf32, #tpu.memory_space<vmem>>, vector<1x256xf32>
    %add3A_104 = vector.broadcast %get3A_103 : vector<1x256xf32> to vector<2000x256xf32>
    %add3A_105 = arith.addf %dot_general3A_100, %add3A_104 : vector<2000x256xf32>
    %max3A_106 = arith.constant 0.000000e+00 : f32
    %max3A_107 = vector.broadcast %max3A_106 : f32 to vector<2000x256xf32>
    %max3A_108 = arith.maximumf %add3A_105, %max3A_107 : vector<2000x256xf32>
    %get3A_109 = arith.constant 0 : index
    %get3A_110 = arith.constant 0 : index
    %get3A_111 = vector.load %arg18[%get3A_109, %get3A_110] : memref<256x64xf32, #tpu.memory_space<vmem>>, vector<256x64xf32>
    %dot_general3A_112 = arith.constant dense<0.000000e+00> : vector<2000x64xf32>
    %dot_general3A_113 = tpu.matmul %max3A_108, %get3A_111, %dot_general3A_112 {dimension_numbers = #tpu.dot_dimension_numbers<[1], [0], [0], [1], [0, 0, 1, 1], [], []>, transpose_lhs_hint = false} : vector<2000x256xf32>, vector<256x64xf32>, vector<2000x64xf32> -> vector<2000x64xf32>
    %get3A_114 = arith.constant 0 : index
    %get3A_115 = arith.constant 0 : index
    %get3A_116 = vector.load %arg19[%get3A_114, %get3A_115] : memref<1x64xf32, #tpu.memory_space<vmem>>, vector<1x64xf32>
    %add3A_117 = vector.broadcast %get3A_116 : vector<1x64xf32> to vector<2000x64xf32>
    %add3A_118 = arith.addf %dot_general3A_113, %add3A_117 : vector<2000x64xf32>
    %max3A_119 = arith.constant 0.000000e+00 : f32
    %max3A_120 = vector.broadcast %max3A_119 : f32 to vector<2000x64xf32>
    %max3A_121 = arith.maximumf %add3A_118, %max3A_120 : vector<2000x64xf32>
    %swap3A_122 = arith.constant 0 : index
    %swap3A_123 = arith.constant 0 : index
    %swap3A_124 = vector.load %arg20[%swap3A_122, %swap3A_123] : memref<2000x64xf32, #tpu.memory_space<vmem>>, vector<2000x64xf32>
    tpu.vector_store %arg20[%swap3A_122, %swap3A_123], %max3A_121 {strides = array<i32>} : memref<2000x64xf32, #tpu.memory_space<vmem>>, vector<2000x64xf32>,
    return
  }
  func.func @transform_0(%arg0: i32) -> (i32, i32) {
    %c0_i32 = arith.constant 0 : i32
    %c0_i32_0 = arith.constant 0 : i32
    return %arg0, %c0_i32 : i32, i32
  }
  func.func @transform_1(%arg0: i32) -> (i32, i32) {
    %c0_i32 = arith.constant 0 : i32
    %c0_i32_0 = arith.constant 0 : i32
    return %arg0, %c0_i32 : i32, i32
  }
  func.func @transform_2(%arg0: i32) -> (i32, i32) {
    %c0_i32 = arith.constant 0 : i32
    %c0_i32_0 = arith.constant 0 : i32
    return %arg0, %c0_i32 : i32, i32
  }
  func.func @transform_3(%arg0: i32) -> (i32, i32) {
    %c0_i32 = arith.constant 0 : i32
    %c0_i32_0 = arith.constant 0 : i32
    return %arg0, %c0_i32 : i32, i32
  }
  func.func @transform_4(%arg0: i32) -> (i32, i32) {
    %c0_i32 = arith.constant 0 : i32
    %c0_i32_0 = arith.constant 0 : i32
    %c0_i32_1 = arith.constant 0 : i32
    return %c0_i32, %c0_i32_0 : i32, i32
  }
  func.func @transform_5(%arg0: i32) -> (i32, i32) {
    %c0_i32 = arith.constant 0 : i32
    %c0_i32_0 = arith.constant 0 : i32
    %c0_i32_1 = arith.constant 0 : i32
    return %c0_i32, %c0_i32_0 : i32, i32
  }
  func.func @transform_6(%arg0: i32) -> (i32, i32) {
    %c0_i32 = arith.constant 0 : i32
    %c0_i32_0 = arith.constant 0 : i32
    %c0_i32_1 = arith.constant 0 : i32
    return %c0_i32, %c0_i32_0 : i32, i32
  }
  func.func @transform_7(%arg0: i32) -> (i32, i32) {
    %c0_i32 = arith.constant 0 : i32
    %c0_i32_0 = arith.constant 0 : i32
    %c0_i32_1 = arith.constant 0 : i32
    return %c0_i32, %c0_i32_0 : i32, i32
  }
  func.func @transform_8(%arg0: i32) -> (i32, i32) {
    %c0_i32 = arith.constant 0 : i32
    %c0_i32_0 = arith.constant 0 : i32
    %c0_i32_1 = arith.constant 0 : i32
    return %c0_i32, %c0_i32_0 : i32, i32
  }
  func.func @transform_9(%arg0: i32) -> (i32, i32) {
    %c0_i32 = arith.constant 0 : i32
    %c0_i32_0 = arith.constant 0 : i32
    %c0_i32_1 = arith.constant 0 : i32
    return %c0_i32, %c0_i32_0 : i32, i32
  }
  func.func @transform_10(%arg0: i32) -> (i32, i32) {
    %c0_i32 = arith.constant 0 : i32
    %c0_i32_0 = arith.constant 0 : i32
    %c0_i32_1 = arith.constant 0 : i32
    return %c0_i32, %c0_i32_0 : i32, i32
  }
  func.func @transform_11(%arg0: i32) -> (i32, i32) {
    %c0_i32 = arith.constant 0 : i32
    %c0_i32_0 = arith.constant 0 : i32
    %c0_i32_1 = arith.constant 0 : i32
    return %c0_i32, %c0_i32_0 : i32, i32
  }
  func.func @transform_12(%arg0: i32) -> (i32, i32) {
    %c0_i32 = arith.constant 0 : i32
    %c0_i32_0 = arith.constant 0 : i32
    %c0_i32_1 = arith.constant 0 : i32
    return %c0_i32, %c0_i32_0 : i32, i32
  }
  func.func @transform_13(%arg0: i32) -> (i32, i32) {
    %c0_i32 = arith.constant 0 : i32
    %c0_i32_0 = arith.constant 0 : i32
    %c0_i32_1 = arith.constant 0 : i32
    return %c0_i32, %c0_i32_0 : i32, i32
  }
  func.func @transform_14(%arg0: i32) -> (i32, i32) {
    %c0_i32 = arith.constant 0 : i32
    %c0_i32_0 = arith.constant 0 : i32
    %c0_i32_1 = arith.constant 0 : i32
    return %c0_i32, %c0_i32_0 : i32, i32
  }
  func.func @transform_15(%arg0: i32) -> (i32, i32) {
    %c0_i32 = arith.constant 0 : i32
    %c0_i32_0 = arith.constant 0 : i32
    %c0_i32_1 = arith.constant 0 : i32
    return %c0_i32, %c0_i32_0 : i32, i32
  }
  func.func @transform_16(%arg0: i32) -> (i32, i32) {
    %c0_i32 = arith.constant 0 : i32
    %c0_i32_0 = arith.constant 0 : i32
    %c0_i32_1 = arith.constant 0 : i32
    return %c0_i32, %c0_i32_0 : i32, i32
  }
  func.func @transform_17(%arg0: i32) -> (i32, i32) {
    %c0_i32 = arith.constant 0 : i32
    %c0_i32_0 = arith.constant 0 : i32
    %c0_i32_1 = arith.constant 0 : i32
    return %c0_i32, %c0_i32_0 : i32, i32
  }
  func.func @transform_18(%arg0: i32) -> (i32, i32) {
    %c0_i32 = arith.constant 0 : i32
    %c0_i32_0 = arith.constant 0 : i32
    %c0_i32_1 = arith.constant 0 : i32
    return %c0_i32, %c0_i32_0 : i32, i32
  }
  func.func @transform_19(%arg0: i32) -> (i32, i32) {
    %c0_i32 = arith.constant 0 : i32
    %c0_i32_0 = arith.constant 0 : i32
    return %arg0, %c0_i32 : i32, i32
  }
  func.func @transform_20(%arg0: i32) -> (i32, i32) {
    %c0_i32 = arith.constant 0 : i32
    %c0_i32_0 = arith.constant 0 : i32
    return %arg0, %c0_i32 : i32, i32
  }
}

module attributes {stable_mosaic.version = 14 : i64} {
  func.func @body(%arg0: i32, %arg1: memref<2000x64xf32, #tpu.memory_space<vmem>>, %arg2: memref<2000x64xf32, #tpu.memory_space<vmem>>, %arg3: memref<2000x64xf32, #tpu.memory_space<vmem>>, %arg4: memref<2000x64xf32, #tpu.memory_space<vmem>>, %arg5: memref<2000x64xf32, #tpu.memory_space<vmem>>, %arg6: memref<1x1x2000xi32, #tpu.memory_space<vmem>>, %arg7: memref<1x1xf32, #tpu.memory_space<smem>>, %arg8: memref<64x256xf32, #tpu.memory_space<vmem>>, %arg9: memref<64x256xf32, #tpu.memory_space<vmem>>, %arg10: memref<1x256xf32, #tpu.memory_space<vmem>>, %arg11: memref<256x256xf32, #tpu.memory_space<vmem>>, %arg12: memref<1x256xf32, #tpu.memory_space<vmem>>, %arg13: memref<256x64xf32, #tpu.memory_space<vmem>>, %arg14: memref<1x64xf32, #tpu.memory_space<vmem>>, %arg15: memref<64x256xf32, #tpu.memory_space<vmem>>, %arg16: memref<64x256xf32, #tpu.memory_space<vmem>>, %arg17: memref<1x256xf32, #tpu.memory_space<vmem>>, %arg18: memref<256x256xf32, #tpu.memory_space<vmem>>, %arg19: memref<1x256xf32, #tpu.memory_space<vmem>>, %arg20: memref<256x64xf32, #tpu.memory_space<vmem>>, %arg21: memref<1x64xf32, #tpu.memory_space<vmem>>, %arg22: memref<64x1xf32, #tpu.memory_space<vmem>>, %arg23: memref<1x1xf32, #tpu.memory_space<vmem>>, %arg24: memref<64x1xf32, #tpu.memory_space<vmem>>, %arg25: memref<64x64xf32, #tpu.memory_space<vmem>>) attributes {dimension_semantics = [#tpu.dimension_semantics<arbitrary>], iteration_bounds = array<i64: 5>, scalar_prefetch = 0 : i64, scratch_operands = 1 : i64, tpu.core_type = #tpu.core_type<tc>, window_params = [{transform_indices = @transform_0, window_bounds = array<i64: 2000, 64>}, {transform_indices = @transform_1, window_bounds = array<i64: 2000, 64>}, {transform_indices = @transform_2, window_bounds = array<i64: 2000, 64>}, {transform_indices = @transform_3, window_bounds = array<i64: 2000, 64>}, {transform_indices = @transform_4, window_bounds = array<i64: 2000, 64>}, {transform_indices = @transform_5, window_bounds = array<i64: 1, 1, 2000>}, {transform_indices = @transform_6, window_bounds = array<i64: 1, 1>}, {pipeline_mode = #tpu.pipeline_mode<synchronous>, transform_indices = @transform_7, window_bounds = array<i64: 64, 256>}, {pipeline_mode = #tpu.pipeline_mode<synchronous>, transform_indices = @transform_8, window_bounds = array<i64: 64, 256>}, {pipeline_mode = #tpu.pipeline_mode<synchronous>, transform_indices = @transform_9, window_bounds = array<i64: 1, 256>}, {pipeline_mode = #tpu.pipeline_mode<synchronous>, transform_indices = @transform_10, window_bounds = array<i64: 256, 256>}, {pipeline_mode = #tpu.pipeline_mode<synchronous>, transform_indices = @transform_11, window_bounds = array<i64: 1, 256>}, {pipeline_mode = #tpu.pipeline_mode<synchronous>, transform_indices = @transform_12, window_bounds = array<i64: 256, 64>}, {pipeline_mode = #tpu.pipeline_mode<synchronous>, transform_indices = @transform_13, window_bounds = array<i64: 1, 64>}, {pipeline_mode = #tpu.pipeline_mode<synchronous>, transform_indices = @transform_14, window_bounds = array<i64: 64, 256>}, {pipeline_mode = #tpu.pipeline_mode<synchronous>, transform_indices = @transform_15, window_bounds = array<i64: 64, 256>}, {pipeline_mode = #tpu.pipeline_mode<synchronous>, transform_indices = @transform_16, window_bounds = array<i64: 1, 256>}, {pipeline_mode = #tpu.pipeline_mode<synchronous>, transform_indices = @transform_17, window_bounds = array<i64: 256, 256>}, {pipeline_mode = #tpu.pipeline_mode<synchronous>, transform_indices = @transform_18, window_bounds = array<i64: 1, 256>}, {pipeline_mode = #tpu.pipeline_mode<synchronous>, transform_indices = @transform_19, window_bounds = array<i64: 256, 64>}, {pipeline_mode = #tpu.pipeline_mode<synchronous>, transform_indices = @transform_20, window_bounds = array<i64: 1, 64>}, {pipeline_mode = #tpu.pipeline_mode<synchronous>, transform_indices = @transform_21, window_bounds = array<i64: 64, 1>}, {pipeline_mode = #tpu.pipeline_mode<synchronous>, transform_indices = @transform_22, window_bounds = array<i64: 1, 1>}, {pipeline_mode = #tpu.pipeline_mode<synchronous>, transform_indices = @transform_23, window_bounds = array<i64: 64, 1>}]} {
    %get3A = arith.constant 0 : index
    %get3A_0 = arith.constant 0 : index
    %get3A_1 = memref.load %arg7[%get3A, %get3A_0] : memref<1x1xf32, #tpu.memory_space<smem>>
    %add3A = arith.constant 1.000000e+00 : f32
    %add3A_2 = arith.addf %add3A, %get3A_1 : f32
    %get3A_3 = arith.constant 0 : index
    %get3A_4 = arith.constant 0 : index
    %get3A_5 = vector.load %arg1[%get3A_3, %get3A_4] : memref<2000x64xf32, #tpu.memory_space<vmem>>, vector<2000x64xf32>
    %mul3A = vector.broadcast %add3A_2 : f32 to vector<2000x64xf32>
    %mul3A_6 = arith.mulf %mul3A, %get3A_5 : vector<2000x64xf32>
    %get3A_7 = arith.constant 0 : index
    %get3A_8 = arith.constant 0 : index
    %get3A_9 = vector.load %arg2[%get3A_7, %get3A_8] : memref<2000x64xf32, #tpu.memory_space<vmem>>, vector<2000x64xf32>
    %add3A_10 = arith.addf %mul3A_6, %get3A_9 : vector<2000x64xf32>
    %get3A_11 = arith.constant 0 : index
    %get3A_12 = arith.constant 0 : index
    %get3A_13 = vector.load %arg3[%get3A_11, %get3A_12] : memref<2000x64xf32, #tpu.memory_space<vmem>>, vector<2000x64xf32>
    %add3A_14 = arith.addf %add3A_10, %get3A_13 : vector<2000x64xf32>
    %get3A_15 = arith.constant 0 : index
    %get3A_16 = arith.constant 0 : index
    %get3A_17 = vector.load %arg8[%get3A_15, %get3A_16] : memref<64x256xf32, #tpu.memory_space<vmem>>, vector<64x256xf32>
    %dot_general3A = arith.constant dense<0.000000e+00> : vector<2000x256xf32>
    %dot_general3A_18 = tpu.matmul %add3A_14, %get3A_17, %dot_general3A {dimension_numbers = #tpu.dot_dimension_numbers<[1], [0], [0], [1], [0, 0, 1, 1], [], []>, transpose_lhs_hint = false} : vector<2000x64xf32>, vector<64x256xf32>, vector<2000x256xf32> -> vector<2000x256xf32>
    %get3A_19 = arith.constant 0 : index
    %get3A_20 = arith.constant 0 : index
    %get3A_21 = vector.load %arg4[%get3A_19, %get3A_20] : memref<2000x64xf32, #tpu.memory_space<vmem>>, vector<2000x64xf32>
    %get3A_22 = arith.constant 0 : index
    %get3A_23 = arith.constant 0 : index
    %get3A_24 = vector.load %arg9[%get3A_22, %get3A_23] : memref<64x256xf32, #tpu.memory_space<vmem>>, vector<64x256xf32>
    %dot_general3A_25 = arith.constant dense<0.000000e+00> : vector<2000x256xf32>
    %dot_general3A_26 = tpu.matmul %get3A_21, %get3A_24, %dot_general3A_25 {dimension_numbers = #tpu.dot_dimension_numbers<[1], [0], [0], [1], [0, 0, 1, 1], [], []>, transpose_lhs_hint = false} : vector<2000x64xf32>, vector<64x256xf32>, vector<2000x256xf32> -> vector<2000x256xf32>
    %add3A_27 = arith.addf %dot_general3A_18, %dot_general3A_26 : vector<2000x256xf32>
    %get3A_28 = arith.constant 0 : index
    %get3A_29 = arith.constant 0 : index
    %get3A_30 = vector.load %arg10[%get3A_28, %get3A_29] : memref<1x256xf32, #tpu.memory_space<vmem>>, vector<1x256xf32>
    %add3A_31 = vector.broadcast %get3A_30 : vector<1x256xf32> to vector<2000x256xf32>
    %add3A_32 = arith.addf %add3A_27, %add3A_31 : vector<2000x256xf32>
    %max3A = arith.constant 0.000000e+00 : f32
    %max3A_33 = vector.broadcast %max3A : f32 to vector<2000x256xf32>
    %max3A_34 = arith.maximumf %add3A_32, %max3A_33 : vector<2000x256xf32>
    %get3A_35 = arith.constant 0 : index
    %get3A_36 = arith.constant 0 : index
    %get3A_37 = vector.load %arg11[%get3A_35, %get3A_36] : memref<256x256xf32, #tpu.memory_space<vmem>>, vector<256x256xf32>
    %dot_general3A_38 = arith.constant dense<0.000000e+00> : vector<2000x256xf32>
    %dot_general3A_39 = tpu.matmul %max3A_34, %get3A_37, %dot_general3A_38 {dimension_numbers = #tpu.dot_dimension_numbers<[1], [0], [0], [1], [0, 0, 1, 1], [], []>, transpose_lhs_hint = false} : vector<2000x256xf32>, vector<256x256xf32>, vector<2000x256xf32> -> vector<2000x256xf32>
    %get3A_40 = arith.constant 0 : index
    %get3A_41 = arith.constant 0 : index
    %get3A_42 = vector.load %arg12[%get3A_40, %get3A_41] : memref<1x256xf32, #tpu.memory_space<vmem>>, vector<1x256xf32>
    %add3A_43 = vector.broadcast %get3A_42 : vector<1x256xf32> to vector<2000x256xf32>
    %add3A_44 = arith.addf %dot_general3A_39, %add3A_43 : vector<2000x256xf32>
    %max3A_45 = arith.constant 0.000000e+00 : f32
    %max3A_46 = vector.broadcast %max3A_45 : f32 to vector<2000x256xf32>
    %max3A_47 = arith.maximumf %add3A_44, %max3A_46 : vector<2000x256xf32>
    %get3A_48 = arith.constant 0 : index
    %get3A_49 = arith.constant 0 : index
    %get3A_50 = vector.load %arg13[%get3A_48, %get3A_49] : memref<256x64xf32, #tpu.memory_space<vmem>>, vector<256x64xf32>
    %dot_general3A_51 = arith.constant dense<0.000000e+00> : vector<2000x64xf32>
    %dot_general3A_52 = tpu.matmul %max3A_47, %get3A_50, %dot_general3A_51 {dimension_numbers = #tpu.dot_dimension_numbers<[1], [0], [0], [1], [0, 0, 1, 1], [], []>, transpose_lhs_hint = false} : vector<2000x256xf32>, vector<256x64xf32>, vector<2000x64xf32> -> vector<2000x64xf32>
    %get3A_53 = arith.constant 0 : index
    %get3A_54 = arith.constant 0 : index
    %get3A_55 = vector.load %arg14[%get3A_53, %get3A_54] : memref<1x64xf32, #tpu.memory_space<vmem>>, vector<1x64xf32>
    %add3A_56 = vector.broadcast %get3A_55 : vector<1x64xf32> to vector<2000x64xf32>
    %add3A_57 = arith.addf %dot_general3A_52, %add3A_56 : vector<2000x64xf32>
    %max3A_58 = arith.constant 0.000000e+00 : f32
    %max3A_59 = vector.broadcast %max3A_58 : f32 to vector<2000x64xf32>
    %max3A_60 = arith.maximumf %add3A_57, %max3A_59 : vector<2000x64xf32>
    %get3A_61 = arith.constant 0 : index
    %get3A_62 = arith.constant 0 : index
    %get3A_63 = vector.load %arg15[%get3A_61, %get3A_62] : memref<64x256xf32, #tpu.memory_space<vmem>>, vector<64x256xf32>
    %dot_general3A_64 = arith.constant dense<0.000000e+00> : vector<2000x256xf32>
    %dot_general3A_65 = tpu.matmul %max3A_60, %get3A_63, %dot_general3A_64 {dimension_numbers = #tpu.dot_dimension_numbers<[1], [0], [0], [1], [0, 0, 1, 1], [], []>, transpose_lhs_hint = false} : vector<2000x64xf32>, vector<64x256xf32>, vector<2000x256xf32> -> vector<2000x256xf32>
    %get3A_66 = arith.constant 0 : index
    %get3A_67 = arith.constant 0 : index
    %get3A_68 = vector.load %arg5[%get3A_66, %get3A_67] : memref<2000x64xf32, #tpu.memory_space<vmem>>, vector<2000x64xf32>
    %get3A_69 = arith.constant 0 : index
    %get3A_70 = arith.constant 0 : index
    %get3A_71 = vector.load %arg16[%get3A_69, %get3A_70] : memref<64x256xf32, #tpu.memory_space<vmem>>, vector<64x256xf32>
    %dot_general3A_72 = arith.constant dense<0.000000e+00> : vector<2000x256xf32>
    %dot_general3A_73 = tpu.matmul %get3A_68, %get3A_71, %dot_general3A_72 {dimension_numbers = #tpu.dot_dimension_numbers<[1], [0], [0], [1], [0, 0, 1, 1], [], []>, transpose_lhs_hint = false} : vector<2000x64xf32>, vector<64x256xf32>, vector<2000x256xf32> -> vector<2000x256xf32>
    %add3A_74 = arith.addf %dot_general3A_65, %dot_general3A_73 : vector<2000x256xf32>
    %get3A_75 = arith.constant 0 : index
    %get3A_76 = arith.constant 0 : index
    %get3A_77 = vector.load %arg17[%get3A_75, %get3A_76] : memref<1x256xf32, #tpu.memory_space<vmem>>, vector<1x256xf32>
    %add3A_78 = vector.broadcast %get3A_77 : vector<1x256xf32> to vector<2000x256xf32>
    %add3A_79 = arith.addf %add3A_74, %add3A_78 : vector<2000x256xf32>
    %max3A_80 = arith.constant 0.000000e+00 : f32
    %max3A_81 = vector.broadcast %max3A_80 : f32 to vector<2000x256xf32>
    %max3A_82 = arith.maximumf %add3A_79, %max3A_81 : vector<2000x256xf32>
    %get3A_83 = arith.constant 0 : index
    %get3A_84 = arith.constant 0 : index
    %get3A_85 = vector.load %arg18[%get3A_83, %get3A_84] : memref<256x256xf32, #tpu.memory_space<vmem>>, vector<256x256xf32>
    %dot_general3A_86 = arith.constant dense<0.000000e+00> : vector<2000x256xf32>
    %dot_general3A_87 = tpu.matmul %max3A_82, %get3A_85, %dot_general3A_86 {dimension_numbers = #tpu.dot_dimension_numbers<[1], [0], [0], [1], [0, 0, 1, 1], [], []>, transpose_lhs_hint = false} : vector<2000x256xf32>, vector<256x256xf32>, vector<2000x256xf32> -> vector<2000x256xf32>
    %get3A_88 = arith.constant 0 : index
    %get3A_89 = arith.constant 0 : index
    %get3A_90 = vector.load %arg19[%get3A_88, %get3A_89] : memref<1x256xf32, #tpu.memory_space<vmem>>, vector<1x256xf32>
    %add3A_91 = vector.broadcast %get3A_90 : vector<1x256xf32> to vector<2000x256xf32>
    %add3A_92 = arith.addf %dot_general3A_87, %add3A_91 : vector<2000x256xf32>
    %max3A_93 = arith.constant 0.000000e+00 : f32
    %max3A_94 = vector.broadcast %max3A_93 : f32 to vector<2000x256xf32>
    %max3A_95 = arith.maximumf %add3A_92, %max3A_94 : vector<2000x256xf32>
    %get3A_96 = arith.constant 0 : index
    %get3A_97 = arith.constant 0 : index
    %get3A_98 = vector.load %arg20[%get3A_96, %get3A_97] : memref<256x64xf32, #tpu.memory_space<vmem>>, vector<256x64xf32>
    %dot_general3A_99 = arith.constant dense<0.000000e+00> : vector<2000x64xf32>
    %dot_general3A_100 = tpu.matmul %max3A_95, %get3A_98, %dot_general3A_99 {dimension_numbers = #tpu.dot_dimension_numbers<[1], [0], [0], [1], [0, 0, 1, 1], [], []>, transpose_lhs_hint = false} : vector<2000x256xf32>, vector<256x64xf32>, vector<2000x64xf32> -> vector<2000x64xf32>
    %get3A_101 = arith.constant 0 : index
    %get3A_102 = arith.constant 0 : index
    %get3A_103 = vector.load %arg21[%get3A_101, %get3A_102] : memref<1x64xf32, #tpu.memory_space<vmem>>, vector<1x64xf32>
    %add3A_104 = vector.broadcast %get3A_103 : vector<1x64xf32> to vector<2000x64xf32>
    %add3A_105 = arith.addf %dot_general3A_100, %add3A_104 : vector<2000x64xf32>
    %max3A_106 = arith.constant 0.000000e+00 : f32
    %max3A_107 = vector.broadcast %max3A_106 : f32 to vector<2000x64xf32>
    %max3A_108 = arith.maximumf %add3A_105, %max3A_107 : vector<2000x64xf32>
    %get3A_109 = arith.constant 0 : index
    %get3A_110 = arith.constant 0 : index
    %get3A_111 = arith.constant 0 : index
    %get3A_112 = vector.load %arg6[%get3A_109, %get3A_110, %get3A_111] : memref<1x1x2000xi32, #tpu.memory_space<vmem>>, vector<1x1x2000xi32>
    %get3A_113 = vector.shape_cast %get3A_112 : vector<1x1x2000xi32> to vector<1x2000xi32>
    %iota3A = tpu.iota {dimensions = array<i32: 0>} : vector<64x2000xi32>
    %eq3A = vector.broadcast %get3A_113 : vector<1x2000xi32> to vector<64x2000xi32>
    %eq3A_114 = arith.cmpi eq, %iota3A, %eq3A : vector<64x2000xi32>
    %jit3A = arith.constant 1.000000e+00 : f32
    %jit3A_115 = arith.constant 0.000000e+00 : f32
    %broadcast_in_dim3A = vector.broadcast %jit3A : f32 to vector<64x2000xf32>
    %broadcast_in_dim3A_116 = vector.broadcast %jit3A_115 : f32 to vector<64x2000xf32>
    %select_n3A = arith.select %eq3A_114, %broadcast_in_dim3A, %broadcast_in_dim3A_116 : vector<64x2000xi1>, vector<64x2000xf32>
    %dot_general3A_117 = arith.constant dense<0.000000e+00> : vector<64x64xf32>
    %dot_general3A_118 = tpu.matmul %select_n3A, %max3A_108, %dot_general3A_117 {dimension_numbers = #tpu.dot_dimension_numbers<[1], [0], [0], [1], [0, 0, 1, 1], [], []>, transpose_lhs_hint = false} : vector<64x2000xf32>, vector<2000x64xf32>, vector<64x64xf32> -> vector<64x64xf32>
    %eq3A_119 = arith.constant 0 : i32
    %eq3A_120 = arith.cmpi eq, %arg0, %eq3A_119 : i32
    %convert_element_type3A = arith.extui %eq3A_120 : i1 to i32
    %cond3A = arith.constant 0 : i32
    %cond3A_121 = arith.cmpi ne, %convert_element_type3A, %cond3A : i32
    scf.if %cond3A_121 {
      %broadcast_in_dim3A_133 = arith.constant 0.000000e+00 : f32
      %broadcast_in_dim3A_134 = vector.broadcast %broadcast_in_dim3A_133 : f32 to vector<64x64xf32>
      %swap3A_135 = arith.constant 0 : index
      %swap3A_136 = arith.constant 0 : index
      %swap3A_137 = vector.load %arg25[%swap3A_135, %swap3A_136] : memref<64x64xf32, #tpu.memory_space<vmem>>, vector<64x64xf32>
      tpu.vector_store %arg25[%swap3A_135, %swap3A_136], %broadcast_in_dim3A_134 {strides = array<i32>} : memref<64x64xf32, #tpu.memory_space<vmem>>, vector<64x64xf32>,
    } else {
    }
    %get3A_122 = arith.constant 0 : index
    %get3A_123 = arith.constant 0 : index
    %get3A_124 = vector.load %arg25[%get3A_122, %get3A_123] : memref<64x64xf32, #tpu.memory_space<vmem>>, vector<64x64xf32>
    %add3A_125 = arith.addf %get3A_124, %dot_general3A_118 : vector<64x64xf32>
    %swap3A = arith.constant 0 : index
    %swap3A_126 = arith.constant 0 : index
    %swap3A_127 = vector.load %arg25[%swap3A, %swap3A_126] : memref<64x64xf32, #tpu.memory_space<vmem>>, vector<64x64xf32>
    tpu.vector_store %arg25[%swap3A, %swap3A_126], %add3A_125 {strides = array<i32>} : memref<64x64xf32, #tpu.memory_space<vmem>>, vector<64x64xf32>,
    %eq3A_128 = arith.constant 4 : i32
    %eq3A_129 = arith.cmpi eq, %arg0, %eq3A_128 : i32
    %convert_element_type3A_130 = arith.extui %eq3A_129 : i1 to i32
    %cond3A_131 = arith.constant 0 : i32
    %cond3A_132 = arith.cmpi ne, %convert_element_type3A_130, %cond3A_131 : i32
    scf.if %cond3A_132 {
      %get3A_133 = arith.constant 0 : index
      %get3A_134 = arith.constant 0 : index
      %get3A_135 = vector.load %arg25[%get3A_133, %get3A_134] : memref<64x64xf32, #tpu.memory_space<vmem>>, vector<64x64xf32>
      %get3A_136 = arith.constant 0 : index
      %get3A_137 = arith.constant 0 : index
      %get3A_138 = vector.load %arg22[%get3A_136, %get3A_137] : memref<64x1xf32, #tpu.memory_space<vmem>>, vector<64x1xf32>
      %dot_general3A_139 = arith.constant dense<0.000000e+00> : vector<64x1xf32>
      %dot_general3A_140 = tpu.matmul %get3A_135, %get3A_138, %dot_general3A_139 {dimension_numbers = #tpu.dot_dimension_numbers<[1], [0], [0], [1], [0, 0, 1, 1], [], []>, transpose_lhs_hint = false} : vector<64x64xf32>, vector<64x1xf32>, vector<64x1xf32> -> vector<64x1xf32>
      %get3A_141 = arith.constant 0 : index
      %get3A_142 = arith.constant 0 : index
      %get3A_143 = vector.load %arg23[%get3A_141, %get3A_142] : memref<1x1xf32, #tpu.memory_space<vmem>>, vector<1x1xf32>
      %add3A_144 = vector.broadcast %get3A_143 : vector<1x1xf32> to vector<64x1xf32>
      %add3A_145 = arith.addf %dot_general3A_140, %add3A_144 : vector<64x1xf32>
      %max3A_146 = arith.constant 0.000000e+00 : f32
      %max3A_147 = vector.broadcast %max3A_146 : f32 to vector<64x1xf32>
      %max3A_148 = arith.maximumf %add3A_145, %max3A_147 : vector<64x1xf32>
      %swap3A_149 = arith.constant 0 : index
      %swap3A_150 = arith.constant 0 : index
      %swap3A_151 = vector.load %arg24[%swap3A_149, %swap3A_150] : memref<64x1xf32, #tpu.memory_space<vmem>>, vector<64x1xf32>
      tpu.vector_store %arg24[%swap3A_149, %swap3A_150], %max3A_148 {strides = array<i32>} : memref<64x1xf32, #tpu.memory_space<vmem>>, vector<64x1xf32>,
    } else {
    }
    return
  }
  func.func @transform_0(%arg0: i32) -> (i32, i32) {
    %c0_i32 = arith.constant 0 : i32
    %c0_i32_0 = arith.constant 0 : i32
    return %arg0, %c0_i32 : i32, i32
  }
  func.func @transform_1(%arg0: i32) -> (i32, i32) {
    %c0_i32 = arith.constant 0 : i32
    %c0_i32_0 = arith.constant 0 : i32
    return %arg0, %c0_i32 : i32, i32
  }
  func.func @transform_2(%arg0: i32) -> (i32, i32) {
    %c0_i32 = arith.constant 0 : i32
    %c0_i32_0 = arith.constant 0 : i32
    return %arg0, %c0_i32 : i32, i32
  }
  func.func @transform_3(%arg0: i32) -> (i32, i32) {
    %c0_i32 = arith.constant 0 : i32
    %c0_i32_0 = arith.constant 0 : i32
    return %arg0, %c0_i32 : i32, i32
  }
  func.func @transform_4(%arg0: i32) -> (i32, i32) {
    %c0_i32 = arith.constant 0 : i32
    %c0_i32_0 = arith.constant 0 : i32
    return %arg0, %c0_i32 : i32, i32
  }
  func.func @transform_5(%arg0: i32) -> (i32, i32, i32) {
    %c0_i32 = arith.constant 0 : i32
    %c0_i32_0 = arith.constant 0 : i32
    %c0_i32_1 = arith.constant 0 : i32
    return %arg0, %c0_i32, %c0_i32_0 : i32, i32, i32
  }
  func.func @transform_6(%arg0: i32) -> (i32, i32) {
    %c0_i32 = arith.constant 0 : i32
    %c0_i32_0 = arith.constant 0 : i32
    %c0_i32_1 = arith.constant 0 : i32
    return %c0_i32, %c0_i32_0 : i32, i32
  }
  func.func @transform_7(%arg0: i32) -> (i32, i32) {
    %c0_i32 = arith.constant 0 : i32
    %c0_i32_0 = arith.constant 0 : i32
    %c0_i32_1 = arith.constant 0 : i32
    return %c0_i32, %c0_i32_0 : i32, i32
  }
  func.func @transform_8(%arg0: i32) -> (i32, i32) {
    %c0_i32 = arith.constant 0 : i32
    %c0_i32_0 = arith.constant 0 : i32
    %c0_i32_1 = arith.constant 0 : i32
    return %c0_i32, %c0_i32_0 : i32, i32
  }
  func.func @transform_9(%arg0: i32) -> (i32, i32) {
    %c0_i32 = arith.constant 0 : i32
    %c0_i32_0 = arith.constant 0 : i32
    %c0_i32_1 = arith.constant 0 : i32
    return %c0_i32, %c0_i32_0 : i32, i32
  }
  func.func @transform_10(%arg0: i32) -> (i32, i32) {
    %c0_i32 = arith.constant 0 : i32
    %c0_i32_0 = arith.constant 0 : i32
    %c0_i32_1 = arith.constant 0 : i32
    return %c0_i32, %c0_i32_0 : i32, i32
  }
  func.func @transform_11(%arg0: i32) -> (i32, i32) {
    %c0_i32 = arith.constant 0 : i32
    %c0_i32_0 = arith.constant 0 : i32
    %c0_i32_1 = arith.constant 0 : i32
    return %c0_i32, %c0_i32_0 : i32, i32
  }
  func.func @transform_12(%arg0: i32) -> (i32, i32) {
    %c0_i32 = arith.constant 0 : i32
    %c0_i32_0 = arith.constant 0 : i32
    %c0_i32_1 = arith.constant 0 : i32
    return %c0_i32, %c0_i32_0 : i32, i32
  }
  func.func @transform_13(%arg0: i32) -> (i32, i32) {
    %c0_i32 = arith.constant 0 : i32
    %c0_i32_0 = arith.constant 0 : i32
    %c0_i32_1 = arith.constant 0 : i32
    return %c0_i32, %c0_i32_0 : i32, i32
  }
  func.func @transform_14(%arg0: i32) -> (i32, i32) {
    %c0_i32 = arith.constant 0 : i32
    %c0_i32_0 = arith.constant 0 : i32
    %c0_i32_1 = arith.constant 0 : i32
    return %c0_i32, %c0_i32_0 : i32, i32
  }
  func.func @transform_15(%arg0: i32) -> (i32, i32) {
    %c0_i32 = arith.constant 0 : i32
    %c0_i32_0 = arith.constant 0 : i32
    %c0_i32_1 = arith.constant 0 : i32
    return %c0_i32, %c0_i32_0 : i32, i32
  }
  func.func @transform_16(%arg0: i32) -> (i32, i32) {
    %c0_i32 = arith.constant 0 : i32
    %c0_i32_0 = arith.constant 0 : i32
    %c0_i32_1 = arith.constant 0 : i32
    return %c0_i32, %c0_i32_0 : i32, i32
  }
  func.func @transform_17(%arg0: i32) -> (i32, i32) {
    %c0_i32 = arith.constant 0 : i32
    %c0_i32_0 = arith.constant 0 : i32
    %c0_i32_1 = arith.constant 0 : i32
    return %c0_i32, %c0_i32_0 : i32, i32
  }
  func.func @transform_18(%arg0: i32) -> (i32, i32) {
    %c0_i32 = arith.constant 0 : i32
    %c0_i32_0 = arith.constant 0 : i32
    %c0_i32_1 = arith.constant 0 : i32
    return %c0_i32, %c0_i32_0 : i32, i32
  }
  func.func @transform_19(%arg0: i32) -> (i32, i32) {
    %c0_i32 = arith.constant 0 : i32
    %c0_i32_0 = arith.constant 0 : i32
    %c0_i32_1 = arith.constant 0 : i32
    return %c0_i32, %c0_i32_0 : i32, i32
  }
  func.func @transform_20(%arg0: i32) -> (i32, i32) {
    %c0_i32 = arith.constant 0 : i32
    %c0_i32_0 = arith.constant 0 : i32
    %c0_i32_1 = arith.constant 0 : i32
    return %c0_i32, %c0_i32_0 : i32, i32
  }
  func.func @transform_21(%arg0: i32) -> (i32, i32) {
    %c0_i32 = arith.constant 0 : i32
    %c0_i32_0 = arith.constant 0 : i32
    %c0_i32_1 = arith.constant 0 : i32
    return %c0_i32, %c0_i32_0 : i32, i32
  }
  func.func @transform_22(%arg0: i32) -> (i32, i32) {
    %c0_i32 = arith.constant 0 : i32
    %c0_i32_0 = arith.constant 0 : i32
    %c0_i32_1 = arith.constant 0 : i32
    return %c0_i32, %c0_i32_0 : i32, i32
  }
  func.func @transform_23(%arg0: i32) -> (i32, i32) {
    %c0_i32 = arith.constant 0 : i32
    %c0_i32_0 = arith.constant 0 : i32
    %c0_i32_1 = arith.constant 0 : i32
    return %c0_i32, %c0_i32_0 : i32, i32
  }
}

</mosaic_0001>

<sc_bundles>
// kernel: kernel.6.cloned.1.call-start
scs
__scs_entry_jumppad:
0x0: {  	(pc) =	sbr.rel $0x88, $3  }
0x1: {  	(tag) =	ssettag $0x0;
	lr =	simm.s32 $0x1  }
0x2: {  	[smem:$0x3F8E] =	sst lr;
	_ =	strace $0xD0000000  }
0x3: {  	_ = 	snop  }
0x4: {  	_ = 	snop  }
0x5: {  	_ = 	snop  }
0x6: {  	_ = 	snop  }
0x7: {  	_ = 	snop  }
__scs_overlays_trampoline_lowered:
0x8: {  	[smem:$0x3F9D] =	sst s0  }
0x9: {  	[smem:$0x3F9E] =	sst s1  }
0xa: {  	[smem:$0x3F9F] =	sst s2  }
0xb: {  	[smem:$0x3FA0] =	sst s3  }
0xc: {  	[smem:$0x3FA1] =	sst s4  }
0xd: {  	[smem:$0x3FA2] =	sst s5  }
0xe: {  	[smem:$0x3FA3] =	sst s6  }
0xf: {  	[smem:$0x3FA4] =	sst s7  }
0x10: {  	[smem:$0x3FA5] =	sst s8  }
0x11: {  	[smem:$0x3FA6] =	sst s9;
	s0 =	simm.s32 @!p0 $0x0  }
0x12: {  	s1 =	sld [smem:$0x3F8C];
	s0 =	simm.s32 @p0 $0x1  }
0x13: {  	[smem:$0x3FA7] =	sst s0;
	s0 =	simm.s32 @!p1 $0x0  }
0x14: {  	s2 =	sld [smem:$0x3F8B];
	s0 =	simm.s32 @p1 $0x1  }
0x15: {  	[smem:$0x3FA8] =	sst s0;
	s0 =	simm.s32 @!p2 $0x0  }
0x16: {  	s3 =	sld [smem:$0x3FDB];
	s0 =	simm.s32 @p2 $0x1  }
0x17: {  	s4 =	simm.s32 $0x1BF5;
	[smem:$0x3FAA] =	sst s0  }
0x18: {  	s0 =	sld [smem:$0x3F8D];
	_ =	swait.ge [sflag:s4], $0x0  }
0x19: {  	s7 =	sld [smem:$0x3F8E]  }
0x1a: {  	s8 =	sadd.s32 $0xFFFFE003, lr  }
0x1b: {  	s9 =	sadd.s32 $0xFFFFFEF7, lr;
	s5 =	simm.s32 $0xFFFFFFFF;
	p2 =	slt.u32 s8, $0xFFFFF086  }
0x1c: {  	p1 =	slt.u32 s9, $0xF7A;
	s5 =	simm.s32 @!p2 $0x0  }
0x1d: {  	s5 =	simm.s32 @p1 $0x1;
	p0 =	seq.s32 s7, s2  }
0x1e: {  	s7 =	smul.u32 @!p0 $0xF7A, s2;
	p2 =	seq.s32 @!p0 s5, $0x0  }
0x1f: {  	s9 =	smul.u32 $0xF7A, s1;
	s8 =	simm.s32 @!p0 $0x1BF5;
	p2 =	por !p2, p0  }
0x20: {  	[sflag:s8] =	ssyncset.s32 @!p0 $0xFFFFF086;
	s6 =	sadd.s32 @!p0 s3, s7;
	s7 =	simm.s32 @!p0 $0x108  }
0x21: {  	s3 =	sadd.s32 s3, s9;
	s6 =	sadd.s32 @!p0 $0x88, s6;
	s7 =	simm.s32 @p2 $0x1082  }
0x22: {  	[simem:s7], [sflag:s8] =	dma.local @!p0 [hbm:s6], $0xF7A  }
0x23: {  	s9 =	sor.u32 $0xD0000000, s2;
	s6 =	simm.s32 $0x108;
	_ =	swait.ge @!p0 [sflag:s8], $0x0  }
0x24: {  	s3 =	sadd.s32 $0x88, s3;
	s6 =	simm.s32 @!p1 $0x1082;
	[sflag:s4] =	ssyncset.s32 $0xFFFFF086  }
0x25: {  	[simem:s6], [sflag:s4] =	dma.local [hbm:s3], $0xF7A  }
0x26: {  	[smem:$0x3F8E] =	sst s1;
	(tag) =	ssettag s2;
	_ =	strace s9  }
0x27: {  	s1 =	sld [smem:$0x3F9E]  }
0x28: {  	s2 =	sld [smem:$0x3F9F]  }
0x29: {  	s4 =	sld [smem:$0x3FA1]  }
0x2a: {  	p0 =	seq.s32 s5, $0x0;
	s5 =	sld [smem:$0x3FA2]  }
0x2b: {  	s6 =	sld [smem:$0x3FA3]  }
0x2c: {  	s7 =	sld [smem:$0x3FA4]  }
0x2d: {  	s3 =	simm.s32 $0x108;
	s8 =	sld [smem:$0x3FA5]  }
0x2e: {  	s3 =	simm.s32 @!p0 $0x1082;
	s9 =	sld [smem:$0x3FA6]  }
0x2f: {  	lr =	sadd.s32 s0, s3;
	s0 =	sld [smem:$0x3F9D]  }
0x30: {  	s3 =	sld [smem:$0x3FA0]  }
0x31: {  	[smem:$0x3FA9] =	sst s10  }
0x32: {  	s10 =	sld [smem:$0x3FA7];
	_ =	sdelay $0x3  }
0x33: {  	p0 =	seq.s32 s10, $0x1;
	s10 =	sld [smem:$0x3FA9];
	_ =	sdelay $0x3  }
0x34: {  	[smem:$0x3FA9] =	sst s10  }
0x35: {  	s10 =	sld [smem:$0x3FA8];
	_ =	sdelay $0x3  }
0x36: {  	p1 =	seq.s32 s10, $0x1;
	s10 =	sld [smem:$0x3FA9];
	_ =	sdelay $0x3  }
0x37: {  	[smem:$0x3FA9] =	sst s10  }
0x38: {  	s10 =	sld [smem:$0x3FAA]  }
0x39: {  	_ = 	snop;
	(pc) =	sbr.ind lr, $3  }
0x3a: {  	_ = 	snop  }
0x3b: {  	_ = 	snop  }
0x3c: {  	p2 =	seq.s32 s10, $0x1;
	s10 =	sld [smem:$0x3FA9]  }
0x3d: {  	_ =	shalt  }
0x3e: {  	_ =	shalt  }
0x3f: {  	_ =	shalt  }
0x40: {  	_ =	shalt  }
0x41: {  	_ =	shalt  }
0x42: {  	_ =	shalt  }
0x43: {  	_ =	shalt  }
0x44: {  	_ =	shalt  }
0x45: {  	_ =	shalt  }
0x46: {  	_ =	shalt  }
0x47: {  	_ =	shalt  }
0x48: {  	_ =	shalt  }
0x49: {  	_ =	shalt  }
0x4a: {  	_ =	shalt  }
0x4b: {  	_ =	shalt  }
0x4c: {  	_ =	shalt  }
0x4d: {  	_ =	shalt  }
0x4e: {  	_ =	shalt  }
0x4f: {  	_ =	shalt  }
0x50: {  	_ =	shalt  }
0x51: {  	_ =	shalt  }
0x52: {  	_ =	shalt  }
0x53: {  	_ =	shalt  }
0x54: {  	_ =	shalt  }
0x55: {  	_ =	shalt  }
0x56: {  	_ =	shalt  }
0x57: {  	_ =	shalt  }
0x58: {  	_ =	shalt  }
0x59: {  	_ =	shalt  }
0x5a: {  	_ =	shalt  }
0x5b: {  	_ =	shalt  }
0x5c: {  	_ =	shalt  }
0x5d: {  	_ =	shalt  }
0x5e: {  	_ =	shalt  }
0x5f: {  	_ =	shalt  }
0x60: {  	_ =	shalt  }
0x61: {  	_ =	shalt  }
0x62: {  	_ =	shalt  }
0x63: {  	_ =	shalt  }
0x64: {  	_ =	shalt  }
0x65: {  	_ =	shalt  }
0x66: {  	_ =	shalt  }
0x67: {  	_ =	shalt  }
0x68: {  	_ =	shalt  }
0x69: {  	_ =	shalt  }
0x6a: {  	_ =	shalt  }
0x6b: {  	_ =	shalt  }
0x6c: {  	_ =	shalt  }
0x6d: {  	_ =	shalt  }
0x6e: {  	_ =	shalt  }
0x6f: {  	_ =	shalt  }
0x70: {  	_ =	shalt  }
0x71: {  	_ =	shalt  }
0x72: {  	_ =	shalt  }
0x73: {  	_ =	shalt  }
0x74: {  	_ =	shalt  }
0x75: {  	_ =	shalt  }
0x76: {  	_ =	shalt  }
0x77: {  	_ =	shalt  }
0x78: {  	_ =	shalt  }
0x79: {  	_ =	shalt  }
0x7a: {  	_ =	shalt  }
0x7b: {  	_ =	shalt  }
0x7c: {  	_ =	shalt  }
0x7d: {  	_ =	shalt  }
0x7e: {  	_ =	shalt  }
0x7f: {  	_ =	shalt  }
0x80: {  	_ =	shalt  }
0x81: {  	_ =	shalt  }
0x82: {  	_ =	shalt  }
0x83: {  	_ =	shalt  }
0x84: {  	_ =	shalt  }
0x85: {  	_ =	shalt  }
0x86: {  	_ =	shalt  }
0x87: {  	_ =	shalt  }
.Lfunc_end0:
.L_simem_size_0:
called_computation_lowered:
.L_overlay_start_0:
0x88: {  	s2 =	sld [smem:$0x3FD9]  }
0x89: {  	s3 =	sld [smem:$0x3FFE];
	_ =	sdelay $0x1  }
0x8a: {  	s1 =	srdreg.scid  }
0x8b: {  	s0 =	sand.u32 $0x1, s1  }
0x8c: {  	s16 =	sshll.u32 s0, $0xA;
	s2 =	sadd.s32 s3, s2  }
0x8d: {  	s2 =	sadd.s32 s2, s16  }
0x8e: {  	[smem:$0x3FB5] =	sst s2  }
0x8f: {  	_ = 	snop  }
0x90: {  	(tm) =	ssettm $0x1  }
0x91: {  	s17 =	sld [smem:$0x3FFB];
	_ =	sdelay $0x3  }
0x92: {  	_ =	strace s17  }
0x93: {  	s2 =	sld [smem:$0x3FFC];
	_ =	sdelay $0x3  }
0x94: {  	_ =	strace s2  }
0x95: {  	s2 =	sld [smem:$0x3FFD];
	_ =	sdelay $0x3  }
0x96: {  	_ =	strace s2  }
0x97: {  	_ =	strace $0x8FFFFFFF  }
0x98: {  	s18 =	sld [smem:$0x3FDB];
	_ =	sdelay $0x1  }
0x99: {  	s19 =	simm.s32 $_scs_section_size  }
0x9a: {  	s4 =	simm.s32 $_size__tile_overlayer_lowered;
	s5 =	simm.s32 $_tile_overlayer_lowered  }
0x9b: {  	s22 =	simm.s32 $0x1BFF;
	s21 =	sshll.u32 s5, $0x1;
	s2 =	sadd.s32 s19, s18  }
0x9c: {  	s6 =	simm.s32 $0x0;
	s20 =	sshll.u32 s4, $0x1;
	s4 =	sadd.s32 s21, s2  }
0x9d: {  	[timem:s6], [sflag:s22] =	dma.local [hbm:s4], s20  }
0x9e: {  	_ =	swait.ge [sflag:s22], s20  }
0x9f: {  	s3 =	ssub.s32 $0x0, s20;
	[sflag:s22] =	ssyncset.done $0x0  }
0xa0: {  	[sflag:s22] =	ssyncadd.s32 s3;
	_ =	sdelay $0x1  }
0xa1: {  	s23 =	simm.s32 $0x1B8B  }
0xa2: {  	_ =	swait.ge [sflag:s23], $0x1  }
0xa3: {  	[sflag:s23] =	ssyncset.done $0x0  }
0xa4: {  	s25 =	simm.s32 $0x1B8E;
	s24 =	sld [smem:$0x3FFE];
	[sflag:s23] =	ssyncadd.s32 $0xFFFFFFFF  }
0xa5: {  	s26 =	simm.s32 $execute0_lowered;
	[smem:$0x3FD2] =	sst s25  }
0xa6: {  	s4 =	sshll.u32 s26, $0x1;
	_ =	strace $0x80000046;
	[dreg:$0x1] =	wrdreg $0xFFFFFFFF  }
0xa7: {  	s28 =	simm.s32 $_size_execute0_lowered;
	s2 =	sadd.s32 s2, s4;
	[dreg:$0x0] =	wrdreg $0x0  }
0xa8: {  	s4 =	sshll.u32 s28, $0x1;
	[dreg:$0x2] =	wrdreg s2  }
0xa9: {  	[dreg:$0x3] =	wrdreg s4  }
0xaa: {  	[dreg:$0x4] =	wrdreg $0xC0  }
0xab: {  	_ =	task [dreg:s6], $0x5FFFF  }
0xac: {  	[dreg:$0x1] =	wrdreg $0xFFFFFFFF  }
0xad: {  	[dreg:$0x0] =	wrdreg $0x60  }
0xae: {  	[dreg:$0x2] =	wrdreg s24  }
0xaf: {  	[dreg:$0x3] =	wrdreg $0x149C00  }
0xb0: {  	[dreg:$0x4] =	wrdreg $0x98000  }
0xb1: {  	[dreg:$0x5] =	wrdreg $0x9  }
0xb2: {  	_ =	task.clear_ibuf [dreg:s6], $0x6FFFF;
	_ =	strace $0x90000046  }
0xb3: {  	s29 =	simm.s32 $0x9;
	_ =	strace $0x80000048  }
0xb4: {  	_ =	swait.ge [sflag:s29], $0x1  }
0xb5: {  	[sflag:s29] =	ssyncadd.s32 $0xFFFFFFFF  }
0xb6: {  	_ =	strace $0x90000048  }
0xb7: {  	_ =	sfence  }
0xb8: {  	s30 =	sld [smem:$0x0];
	_ =	sdelay $0x2  }
0xb9: {  	s31 =	sshll.u32 s1, $0xD;
	s1 =	sshrl.u32 s1, $0x2  }
0xba: {  	s3 =	sand.u32 $0x4000, s31;
	s1 =	sadd.s32 s1, s30  }
0xbb: {  	s0 =	sor.u32 s3, s0;
	s1 =	sshll.u32 s1, $0x11  }
0xbc: {  	s0 =	sor.u32 s1, s0  }
0xbd: {  	s0 =	sadd.s32 $0x8F2B, s0  }
0xbe: {  	[sflag:s0] =	ssyncadd.remote.s32 $0x1  }
0xbf: {  	_ =	sfence.sel $0xFFFF  }
0xc0: {  	[dreg:$0x0] =	wrdreg $0xFFFFFFFF;
	(pc) =	sbr.abs _section_cstart, $3  }
0xc1: {  	[dreg:$0x1] =	wrdreg $0xFFFFFFFF  }
0xc2: {  	_ =	task.clear_ibuf [dreg:s6], $0x2FFFF;
	_ =	strace $0x9FFFFFFF  }
0xc3: {  	(tm) =	ssettm $0x7FFFFFFF  }
tec
execute0_lowered:
.L_overlay_start_1:
0x0: {  	(tag) =	ssettag $0x1  }
0x1: {  	s5 =	rddreg [dreg:$0x0]  }
0x2: {  	s2 =	rddreg [dreg:$0x1]  }
0x3: {  	s3 =	rddreg [dreg:$0x2]  }
0x4: {  	s0 =	rddreg [dreg:$0x3]  }
0x5: {  	s4 =	simm.s32 $0x0;
	s1 =	stileid.u32;
	s8 =	srdreg.scid  }
0x6: {  	s16 =	simm.s32 $0x80;
	s17 =	simm.s32 $0x5000;
	s18 =	simm.s32 $0x7400  }
0x7: {  	s19 =	simm.s32 $0x1;
	s20 =	simm.s32 $0x2;
	s21 =	simm.s32 $0x2780  }
0x8: {  	s22 =	simm.s32 $0x4F00;
	s23 =	simm.s32 $0x4F80;
	s6 =	smul.u32 $0xAFC8, s1  }
0x9: {  	s24 =	simm.s32 $0x0;
	[smem:$0x7FF] =	sst s4;
	s7 =	smul.u32 $0xB1C0, s1  }
0xa: {  	s8 =	sand.u32 $0x1, s8;
	s10 =	smul.u32 $0x2800, s1;
	s31 =	sshll.u32 s1, $0x6  }
0xb: {  	_ =	strace $0x80000047;
	s11 =	smul.u32 $0xB1C00, s8;
	p0 =	seq.s32 s8, $0x0  }
0xc: {  	s8 =	ssub.s32 $0x2, s8;
	s9 =	sshrl.u32 s6, $0x3;
	s12 =	sshrl.u32 s7, $0x3  }
0xd: {  	s13 =	sadd.s32 $0x28000, s10;
	s29 =	sshrl.u32 s8, $0x1;
	s14 =	sadd.s32 s6, s2  }
0xe: {  	s6 =	sor.u32 $0x1C03, s31;
	s15 =	sadd.s32 s7, s3;
	s9 =	sadd.s32 s9, s5  }
0xf: {  	s12 =	sadd.s32 s12, s5;
	s13 =	smov.u32 @p0 s10;
	s26 =	sadd.s32 s7, s11  }
0x10: {  	s30 =	ssub.s32 s8, s29;
	s28 =	sshrl.u32 s13, $0x3;
	s10 =	sshrl.u32 s26, $0x3  }
0x11: {  	s7 =	sadd.s32 $0x53C00, s12;
	s12 =	sshrl.u32 s14, $0x3;
	s13 =	simm.s32 $0x3  }
0x12: {  	s14 =	sshrl.u32 s15, $0x3;
	s15 =	simm.s32 $0x2800;
	s11 =	sadd.s32 s28, s5  }
0x13: {  	s10 =	sadd.s32 s10, s5;
	s5 =	sadd.s32 $0x29C00, s9;
	s8 =	sadd.s32 $0x49C00, s11  }
0x14: {  	s9 =	sadd.s32 $0x3FC00, s11;
	s10 =	sadd.s32 $0x6A000, s10;
	s11 =	smax.u32 s30, $0x1  }
.LBB2_1:
0x15: {  	[spmem:s12], [sflag:s6] =	dma.local [hbm:s5], $0x15F9  }
0x16: {  	_ =	swait.ge [sflag:s13], $0x15F9  }
0x17: {  	[sflag:s13] =	ssyncset.done $0x0  }
0x18: {  	[sflag:s13] =	ssyncadd.s32 $0xFFFFEA07  }
0x19: {  	[spmem:s14], [sflag:s6] =	dma.local [hbm:s7], $0x1638  }
0x1a: {  	_ =	swait.ge [sflag:s13], $0x1638  }
0x1b: {  	[sflag:s13] =	ssyncset.done $0x0  }
0x1c: {  	[sflag:s13] =	ssyncadd.s32 $0xFFFFE9C8  }
0x1d: {  	[tilespmem:s4], [sflag:$0x3] =	stream.linear.gather [hbm4b:s8+s4], $0x2800, $0x38;
	[tilespmem:$0x1F988] =	vst v63  }
0x1e: {  	_ =	swait.ge [sflag:s13], $0x2800  }
0x1f: {  	[sflag:s13] =	ssyncset.done $0x0  }
0x20: {  	[sflag:s13] =	ssyncadd.s32 $0xFFFFD800  }
0x21: {  	[tilespmem:s15], [sflag:$0x3] =	stream.linear.gather [hbm4b:s9+s4], $0x2800, $0x38;
	[tilespmem:$0x1F988] =	vst v63  }
0x22: {  	_ =	swait.ge [sflag:s13], $0x2800  }
0x23: {  	[sflag:s13] =	ssyncset.done $0x0  }
0x24: {  	[sflag:s13] =	ssyncadd.s32 $0xFFFFD800  }
0x25: {  	[bflag:$0x0] =	sbarrier.arrive $0xFFFF  }
0x26: {  	[tilespmem:s17], [sflag:$0x1] =	stream.indirect.gather [spmem:s2], $0x48, s4, s16, $0xb8;
	[tilespmem:$0x1F988] =	vst v63  }
0x27: {  	s25 =	simm.s32 $0x80  }
0x28: {  	[tilespmem:s18], [sflag:$0x2] =	stream.indirect.gather [spmem:s2], $0x48, s25, s16, $0xb8;
	[tilespmem:$0x1F988] =	vst v63  }
0x29: {  	_ =	swait.ge [sflag:s19], $0x2400  }
0x2a: {  	[sflag:s19] =	ssyncset.done $0x0  }
0x2b: {  	s29 =	simm.s32 $0x2800;
	[sflag:s19] =	ssyncadd.s32 $0xFFFFDC00  }
0x2c: {  	[spmem:s3] =	stream.indirect.scatter.add.f32 [tilespmem:s17], [sflag:$0x3], $0x48, s29, s16, $0xb8;
	[tilespmem:$0x1F988] =	vst v63  }
0x2d: {  	_ =	swait.ge [sflag:s13], $0x2400  }
0x2e: {  	[sflag:s13] =	ssyncset.done $0x0  }
0x2f: {  	s30 =	simm.s32 $0x100;
	[sflag:s13] =	ssyncadd.s32 $0xFFFFDC00  }
0x30: {  	[tilespmem:s17], [sflag:$0x1] =	stream.indirect.gather [spmem:s2], $0x48, s30, s16, $0xb8;
	[tilespmem:$0x1F988] =	vst v63  }
0x31: {  	_ =	swait.ge [sflag:s20], $0x2400  }
0x32: {  	[sflag:s20] =	ssyncset.done $0x0  }
0x33: {  	s31 =	simm.s32 $0x2880;
	[sflag:s20] =	ssyncadd.s32 $0xFFFFDC00  }
0x34: {  	[spmem:s3] =	stream.indirect.scatter.add.f32 [tilespmem:s18], [sflag:$0x3], $0x48, s31, s16, $0xb8;
	[tilespmem:$0x1F988] =	vst v63  }
0x35: {  	_ =	swait.ge [sflag:s13], $0x2400  }
0x36: {  	s26 =	simm.s32 $0x800;
	s25 =	simm.s32 $0x100;
	[sflag:s13] =	ssyncset.done $0x0  }
.LBB2_2:
0x37: {  	s28 =	sadd.s32 $0x80, s25  }
0x38: {  	[sflag:s13] =	ssyncadd.s32 $0xFFFFDC00;
	s29 =	smov.u32 s26;
	s30 =	sadd.s32 $0x400, s26  }
0x39: {  	[tilespmem:s18], [sflag:$0x2] =	stream.indirect.gather [spmem:s2], $0x48, s28, s16, $0xb8;
	[tilespmem:$0x1F988] =	vst v63  }
0x3a: {  	p0 =	sne.s32 s26, $0x9800;
	_ =	swait.ge [sflag:s19], $0x2400  }
0x3b: {  	[sflag:s19] =	ssyncset.done $0x0  }
0x3c: {  	s26 =	sadd.s32 $0x2800, s25;
	[sflag:s19] =	ssyncadd.s32 $0xFFFFDC00  }
0x3d: {  	[spmem:s3] =	stream.indirect.scatter.add.f32 [tilespmem:s17], [sflag:$0x3], $0x48, s26, s16, $0xb8;
	[tilespmem:$0x1F988] =	vst v63  }
0x3e: {  	_ =	swait.ge [sflag:s13], $0x2400  }
0x3f: {  	[sflag:s13] =	ssyncset.done $0x0  }
0x40: {  	s26 =	sadd.s32 $0x100, s25;
	[sflag:s13] =	ssyncadd.s32 $0xFFFFDC00  }
0x41: {  	[tilespmem:s17], [sflag:$0x1] =	stream.indirect.gather [spmem:s2], $0x48, s26, s16, $0xb8;
	[tilespmem:$0x1F988] =	vst v63  }
0x42: {  	_ =	swait.ge [sflag:s20], $0x2400  }
.Ltmp0:
0x43: {  	[sflag:s20] =	ssyncset.done $0x0;
	(pc) =	sbr.rel @p0 .LBB2_2-.Ltmp0, $4  }
0x44: {  	s25 =	sadd.s32 $0x2880, s25;
	[sflag:s20] =	ssyncadd.s32 $0xFFFFDC00  }
0x45: {  	[spmem:s3] =	stream.indirect.scatter.add.f32 [tilespmem:s18], [sflag:$0x3], $0x48, s25, s16, $0xb8;
	[tilespmem:$0x1F988] =	vst v63  }
0x46: {  	_ =	swait.ge [sflag:s13], $0x2400  }
0x47: {  	s26 =	smov.u32 s30;
	s25 =	sshra.s32 s29, $0x2;
	[sflag:s13] =	ssyncset.done $0x0  }
0x48: {  	s26 =	sadd.s32 $0x80, s25;
	[sflag:s13] =	ssyncadd.s32 $0xFFFFDC00  }
0x49: {  	[tilespmem:s18], [sflag:$0x2] =	stream.indirect.gather [spmem:s2], $0x48, s26, s16, $0xb8;
	[tilespmem:$0x1F988] =	vst v63  }
0x4a: {  	_ =	swait.ge [sflag:s19], $0x2400  }
0x4b: {  	[sflag:s19] =	ssyncset.done $0x0  }
0x4c: {  	s29 =	sadd.s32 $0x2800, s25;
	[sflag:s19] =	ssyncadd.s32 $0xFFFFDC00  }
0x4d: {  	[spmem:s3] =	stream.indirect.scatter.add.f32 [tilespmem:s17], [sflag:$0x3], $0x48, s29, s16, $0xb8;
	[tilespmem:$0x1F988] =	vst v63  }
0x4e: {  	_ =	swait.ge [sflag:s13], $0x2400  }
0x4f: {  	[sflag:s13] =	ssyncset.done $0x0  }
0x50: {  	s30 =	sadd.s32 $0x100, s25;
	[sflag:s13] =	ssyncadd.s32 $0xFFFFDC00  }
0x51: {  	[tilespmem:s17], [sflag:$0x1] =	stream.indirect.gather [spmem:s2], $0x48, s30, s16, $0xb8;
	[tilespmem:$0x1F988] =	vst v63  }
0x52: {  	_ =	swait.ge [sflag:s20], $0x2400  }
0x53: {  	[sflag:s20] =	ssyncset.done $0x0  }
0x54: {  	s31 =	sadd.s32 $0x2880, s25;
	[sflag:s20] =	ssyncadd.s32 $0xFFFFDC00  }
0x55: {  	[spmem:s3] =	stream.indirect.scatter.add.f32 [tilespmem:s18], [sflag:$0x3], $0x48, s31, s16, $0xb8;
	[tilespmem:$0x1F988] =	vst v63  }
0x56: {  	_ =	swait.ge [sflag:s13], $0x2400  }
0x57: {  	[sflag:s13] =	ssyncset.done $0x0  }
0x58: {  	[sflag:s13] =	ssyncadd.s32 $0xFFFFDC00  }
0x59: {  	[tilespmem:s18], [sflag:$0x2] =	stream.indirect.gather [spmem:s2], $0x48, s21, s16, $0xb8;
	[tilespmem:$0x1F988] =	vst v63  }
0x5a: {  	_ =	swait.ge [sflag:s19], $0x2400  }
0x5b: {  	[sflag:s19] =	ssyncset.done $0x0  }
0x5c: {  	[sflag:s19] =	ssyncadd.s32 $0xFFFFDC00  }
0x5d: {  	[spmem:s3] =	stream.indirect.scatter.add.f32 [tilespmem:s17], [sflag:$0x3], $0x48, s22, s16, $0xb8;
	[tilespmem:$0x1F988] =	vst v63  }
0x5e: {  	_ =	swait.ge [sflag:s13], $0x2400  }
0x5f: {  	[sflag:s13] =	ssyncset.done $0x0  }
0x60: {  	[sflag:s13] =	ssyncadd.s32 $0xFFFFDC00  }
0x61: {  	_ =	swait.ge [sflag:s20], $0x2400  }
0x62: {  	[sflag:s20] =	ssyncset.done $0x0  }
0x63: {  	[sflag:s20] =	ssyncadd.s32 $0xFFFFDC00  }
0x64: {  	[spmem:s3] =	stream.indirect.scatter.add.f32 [tilespmem:s18], [sflag:$0x3], $0x48, s23, s16, $0xb8;
	[tilespmem:$0x1F988] =	vst v63  }
0x65: {  	_ =	swait.ge [sflag:s13], $0x2400  }
0x66: {  	s24 =	sadd.s32 $0x1, s24;
	[sflag:s13] =	ssyncset.done $0x0  }
0x67: {  	p0 =	sne.s32 s24, s11;
	[sflag:s13] =	ssyncadd.s32 $0xFFFFDC00  }
.Ltmp1:
0x68: {  	[bflag:$0x0] =	sbarrier.arrive $0xFFFF;
	(pc) =	sbr.rel @p0 .LBB2_1-.Ltmp1, $4  }
0x69: {  	[hbm:s10], [sflag:s6] =	dma.local [spmem:s14], $0x1638  }
0x6a: {  	_ =	swait.ge [sflag:s13], $0x1638  }
0x6b: {  	[sflag:s13] =	ssyncset.done $0x0  }
0x6c: {  	[sflag:s13] =	ssyncadd.s32 $0xFFFFE9C8  }
0x6d: {  	_ =	sfence.sel $0x180000  }
0x6e: {  	[bflag:$0x0] =	sbarrier.arrive $0xFFFF  }
0x6f: {  	p0 =	sne.s32 s1, $0x0;
	_ =	strace $0x90000047  }
0x70: {  	s0 =	sadd.s32 @!p0 $0x100000, s0;
	[bflag:$0x2] =	sbarrier.arrive $0xFFFF  }
0x71: {  	[sflag:s0] =	ssyncadd.tile.s32 @!p0 $0x1;
	_ =	shalt  }
.Lfunc_end2:
_tile_overlayer_lowered:
.L_overlay_start_2:
0x72: {  	(tag) =	ssettag $0x2  }
0x73: {  	s0 =	rddreg [dreg:$0x0];
	s2 =	stileid.u32  }
0x74: {  	s1 =	rddreg [dreg:$0x1];
	p0 =	sne.s32 s2, $0x0  }
0x75: {  	s3 =	rddreg [dreg:$0x2];
	[bflag:$0x3] =	sbarrier.arrive $0xFFFF;
	s2 =	simm.s32 @!p0 $0x1C03  }
0x76: {  	[timem:s3], [sflag:s2] =	dma.local @!p0 [hbm:s0], s1  }
0x77: {  	s0 =	simm.s32 @!p0 $0x3  }
0x78: {  	_ =	swait.ge @!p0 [sflag:s0], s1  }
0x79: {  	s1 =	ssub.s32 @!p0 $0x0, s1;
	[sflag:s0] =	ssyncset.done @!p0 $0x0  }
0x7a: {  	[sflag:s0] =	ssyncadd.s32 @!p0 s1  }
0x7b: {  	[bflag:$0x3] =	sbarrier.arrive $0xFFFF  }
0x7c: {  	_ =	shalt  }

// kernel: kernel.9.cloned.1.call-start
scs
__scs_entry_jumppad:
0x0: {  	(pc) =	sbr.rel $0x88, $3  }
0x1: {  	(tag) =	ssettag $0x0;
	lr =	simm.s32 $0x1  }
0x2: {  	[smem:$0x3F8E] =	sst lr;
	_ =	strace $0xD0000000  }
0x3: {  	_ = 	snop  }
0x4: {  	_ = 	snop  }
0x5: {  	_ = 	snop  }
0x6: {  	_ = 	snop  }
0x7: {  	_ = 	snop  }
__scs_overlays_trampoline_lowered:
0x8: {  	[smem:$0x3F9D] =	sst s0  }
0x9: {  	[smem:$0x3F9E] =	sst s1  }
0xa: {  	[smem:$0x3F9F] =	sst s2  }
0xb: {  	[smem:$0x3FA0] =	sst s3  }
0xc: {  	[smem:$0x3FA1] =	sst s4  }
0xd: {  	[smem:$0x3FA2] =	sst s5  }
0xe: {  	[smem:$0x3FA3] =	sst s6  }
0xf: {  	[smem:$0x3FA4] =	sst s7  }
0x10: {  	[smem:$0x3FA5] =	sst s8  }
0x11: {  	[smem:$0x3FA6] =	sst s9;
	s0 =	simm.s32 @!p0 $0x0  }
0x12: {  	s1 =	sld [smem:$0x3F8C];
	s0 =	simm.s32 @p0 $0x1  }
0x13: {  	[smem:$0x3FA7] =	sst s0;
	s0 =	simm.s32 @!p1 $0x0  }
0x14: {  	s2 =	sld [smem:$0x3F8B];
	s0 =	simm.s32 @p1 $0x1  }
0x15: {  	[smem:$0x3FA8] =	sst s0;
	s0 =	simm.s32 @!p2 $0x0  }
0x16: {  	s3 =	sld [smem:$0x3FDB];
	s0 =	simm.s32 @p2 $0x1  }
0x17: {  	s4 =	simm.s32 $0x1BF5;
	[smem:$0x3FAA] =	sst s0  }
0x18: {  	s0 =	sld [smem:$0x3F8D];
	_ =	swait.ge [sflag:s4], $0x0  }
0x19: {  	s7 =	sld [smem:$0x3F8E]  }
0x1a: {  	s8 =	sadd.s32 $0xFFFFE003, lr  }
0x1b: {  	s9 =	sadd.s32 $0xFFFFFEF7, lr;
	s5 =	simm.s32 $0xFFFFFFFF;
	p2 =	slt.u32 s8, $0xFFFFF086  }
0x1c: {  	p1 =	slt.u32 s9, $0xF7A;
	s5 =	simm.s32 @!p2 $0x0  }
0x1d: {  	s5 =	simm.s32 @p1 $0x1;
	p0 =	seq.s32 s7, s2  }
0x1e: {  	s7 =	smul.u32 @!p0 $0xF7A, s2;
	p2 =	seq.s32 @!p0 s5, $0x0  }
0x1f: {  	s9 =	smul.u32 $0xF7A, s1;
	s8 =	simm.s32 @!p0 $0x1BF5;
	p2 =	por !p2, p0  }
0x20: {  	[sflag:s8] =	ssyncset.s32 @!p0 $0xFFFFF086;
	s6 =	sadd.s32 @!p0 s3, s7;
	s7 =	simm.s32 @!p0 $0x108  }
0x21: {  	s3 =	sadd.s32 s3, s9;
	s6 =	sadd.s32 @!p0 $0x88, s6;
	s7 =	simm.s32 @p2 $0x1082  }
0x22: {  	[simem:s7], [sflag:s8] =	dma.local @!p0 [hbm:s6], $0xF7A  }
0x23: {  	s9 =	sor.u32 $0xD0000000, s2;
	s6 =	simm.s32 $0x108;
	_ =	swait.ge @!p0 [sflag:s8], $0x0  }
0x24: {  	s3 =	sadd.s32 $0x88, s3;
	s6 =	simm.s32 @!p1 $0x1082;
	[sflag:s4] =	ssyncset.s32 $0xFFFFF086  }
0x25: {  	[simem:s6], [sflag:s4] =	dma.local [hbm:s3], $0xF7A  }
0x26: {  	[smem:$0x3F8E] =	sst s1;
	(tag) =	ssettag s2;
	_ =	strace s9  }
0x27: {  	s1 =	sld [smem:$0x3F9E]  }
0x28: {  	s2 =	sld [smem:$0x3F9F]  }
0x29: {  	s4 =	sld [smem:$0x3FA1]  }
0x2a: {  	p0 =	seq.s32 s5, $0x0;
	s5 =	sld [smem:$0x3FA2]  }
0x2b: {  	s6 =	sld [smem:$0x3FA3]  }
0x2c: {  	s7 =	sld [smem:$0x3FA4]  }
0x2d: {  	s3 =	simm.s32 $0x108;
	s8 =	sld [smem:$0x3FA5]  }
0x2e: {  	s3 =	simm.s32 @!p0 $0x1082;
	s9 =	sld [smem:$0x3FA6]  }
0x2f: {  	lr =	sadd.s32 s0, s3;
	s0 =	sld [smem:$0x3F9D]  }
0x30: {  	s3 =	sld [smem:$0x3FA0]  }
0x31: {  	[smem:$0x3FA9] =	sst s10  }
0x32: {  	s10 =	sld [smem:$0x3FA7];
	_ =	sdelay $0x3  }
0x33: {  	p0 =	seq.s32 s10, $0x1;
	s10 =	sld [smem:$0x3FA9];
	_ =	sdelay $0x3  }
0x34: {  	[smem:$0x3FA9] =	sst s10  }
0x35: {  	s10 =	sld [smem:$0x3FA8];
	_ =	sdelay $0x3  }
0x36: {  	p1 =	seq.s32 s10, $0x1;
	s10 =	sld [smem:$0x3FA9];
	_ =	sdelay $0x3  }
0x37: {  	[smem:$0x3FA9] =	sst s10  }
0x38: {  	s10 =	sld [smem:$0x3FAA]  }
0x39: {  	_ = 	snop;
	(pc) =	sbr.ind lr, $3  }
0x3a: {  	_ = 	snop  }
0x3b: {  	_ = 	snop  }
0x3c: {  	p2 =	seq.s32 s10, $0x1;
	s10 =	sld [smem:$0x3FA9]  }
0x3d: {  	_ =	shalt  }
0x3e: {  	_ =	shalt  }
0x3f: {  	_ =	shalt  }
0x40: {  	_ =	shalt  }
0x41: {  	_ =	shalt  }
0x42: {  	_ =	shalt  }
0x43: {  	_ =	shalt  }
0x44: {  	_ =	shalt  }
0x45: {  	_ =	shalt  }
0x46: {  	_ =	shalt  }
0x47: {  	_ =	shalt  }
0x48: {  	_ =	shalt  }
0x49: {  	_ =	shalt  }
0x4a: {  	_ =	shalt  }
0x4b: {  	_ =	shalt  }
0x4c: {  	_ =	shalt  }
0x4d: {  	_ =	shalt  }
0x4e: {  	_ =	shalt  }
0x4f: {  	_ =	shalt  }
0x50: {  	_ =	shalt  }
0x51: {  	_ =	shalt  }
0x52: {  	_ =	shalt  }
0x53: {  	_ =	shalt  }
0x54: {  	_ =	shalt  }
0x55: {  	_ =	shalt  }
0x56: {  	_ =	shalt  }
0x57: {  	_ =	shalt  }
0x58: {  	_ =	shalt  }
0x59: {  	_ =	shalt  }
0x5a: {  	_ =	shalt  }
0x5b: {  	_ =	shalt  }
0x5c: {  	_ =	shalt  }
0x5d: {  	_ =	shalt  }
0x5e: {  	_ =	shalt  }
0x5f: {  	_ =	shalt  }
0x60: {  	_ =	shalt  }
0x61: {  	_ =	shalt  }
0x62: {  	_ =	shalt  }
0x63: {  	_ =	shalt  }
0x64: {  	_ =	shalt  }
0x65: {  	_ =	shalt  }
0x66: {  	_ =	shalt  }
0x67: {  	_ =	shalt  }
0x68: {  	_ =	shalt  }
0x69: {  	_ =	shalt  }
0x6a: {  	_ =	shalt  }
0x6b: {  	_ =	shalt  }
0x6c: {  	_ =	shalt  }
0x6d: {  	_ =	shalt  }
0x6e: {  	_ =	shalt  }
0x6f: {  	_ =	shalt  }
0x70: {  	_ =	shalt  }
0x71: {  	_ =	shalt  }
0x72: {  	_ =	shalt  }
0x73: {  	_ =	shalt  }
0x74: {  	_ =	shalt  }
0x75: {  	_ =	shalt  }
0x76: {  	_ =	shalt  }
0x77: {  	_ =	shalt  }
0x78: {  	_ =	shalt  }
0x79: {  	_ =	shalt  }
0x7a: {  	_ =	shalt  }
0x7b: {  	_ =	shalt  }
0x7c: {  	_ =	shalt  }
0x7d: {  	_ =	shalt  }
0x7e: {  	_ =	shalt  }
0x7f: {  	_ =	shalt  }
0x80: {  	_ =	shalt  }
0x81: {  	_ =	shalt  }
0x82: {  	_ =	shalt  }
0x83: {  	_ =	shalt  }
0x84: {  	_ =	shalt  }
0x85: {  	_ =	shalt  }
0x86: {  	_ =	shalt  }
0x87: {  	_ =	shalt  }
.Lfunc_end0:
.L_simem_size_0:
called_computation.1_lowered:
.L_overlay_start_0:
0x88: {  	s2 =	sld [smem:$0x3FD9]  }
0x89: {  	s3 =	sld [smem:$0x3FFE];
	_ =	sdelay $0x1  }
0x8a: {  	s1 =	srdreg.scid  }
0x8b: {  	s0 =	sand.u32 $0x1, s1  }
0x8c: {  	s16 =	sshll.u32 s0, $0xA;
	s2 =	sadd.s32 s3, s2  }
0x8d: {  	s2 =	sadd.s32 s2, s16  }
0x8e: {  	[smem:$0x3FB5] =	sst s2  }
0x8f: {  	_ = 	snop  }
0x90: {  	(tm) =	ssettm $0x1  }
0x91: {  	s17 =	sld [smem:$0x3FFB];
	_ =	sdelay $0x3  }
0x92: {  	_ =	strace s17  }
0x93: {  	s2 =	sld [smem:$0x3FFC];
	_ =	sdelay $0x3  }
0x94: {  	_ =	strace s2  }
0x95: {  	s2 =	sld [smem:$0x3FFD];
	_ =	sdelay $0x3  }
0x96: {  	_ =	strace s2  }
0x97: {  	_ =	strace $0x8FFFFFFF  }
0x98: {  	s18 =	sld [smem:$0x3FDB];
	_ =	sdelay $0x1  }
0x99: {  	s19 =	simm.s32 $_scs_section_size  }
0x9a: {  	s4 =	simm.s32 $_size__tile_overlayer_lowered;
	s5 =	simm.s32 $_tile_overlayer_lowered  }
0x9b: {  	s22 =	simm.s32 $0x1BFF;
	s21 =	sshll.u32 s5, $0x1;
	s2 =	sadd.s32 s19, s18  }
0x9c: {  	s6 =	simm.s32 $0x0;
	s20 =	sshll.u32 s4, $0x1;
	s4 =	sadd.s32 s21, s2  }
0x9d: {  	[timem:s6], [sflag:s22] =	dma.local [hbm:s4], s20  }
0x9e: {  	_ =	swait.ge [sflag:s22], s20  }
0x9f: {  	s3 =	ssub.s32 $0x0, s20;
	[sflag:s22] =	ssyncset.done $0x0  }
0xa0: {  	[sflag:s22] =	ssyncadd.s32 s3;
	_ =	sdelay $0x1  }
0xa1: {  	s23 =	simm.s32 $0x1B8B  }
0xa2: {  	_ =	swait.ge [sflag:s23], $0x1  }
0xa3: {  	[sflag:s23] =	ssyncset.done $0x0  }
0xa4: {  	s25 =	simm.s32 $0x1B8E;
	s24 =	sld [smem:$0x3FFE];
	[sflag:s23] =	ssyncadd.s32 $0xFFFFFFFF  }
0xa5: {  	s26 =	simm.s32 $execute0_lowered;
	[smem:$0x3FD2] =	sst s25  }
0xa6: {  	s4 =	sshll.u32 s26, $0x1;
	_ =	strace $0x80000049;
	[dreg:$0x1] =	wrdreg $0xFFFFFFFF  }
0xa7: {  	s28 =	simm.s32 $_size_execute0_lowered;
	s2 =	sadd.s32 s2, s4;
	[dreg:$0x0] =	wrdreg $0x0  }
0xa8: {  	s4 =	sshll.u32 s28, $0x1;
	[dreg:$0x2] =	wrdreg s2  }
0xa9: {  	[dreg:$0x3] =	wrdreg s4  }
0xaa: {  	[dreg:$0x4] =	wrdreg $0xC0  }
0xab: {  	_ =	task [dreg:s6], $0x5FFFF  }
0xac: {  	[dreg:$0x1] =	wrdreg $0xFFFFFFFF  }
0xad: {  	[dreg:$0x0] =	wrdreg $0x60  }
0xae: {  	[dreg:$0x2] =	wrdreg s24  }
0xaf: {  	[dreg:$0x3] =	wrdreg $0x12E000  }
0xb0: {  	[dreg:$0x4] =	wrdreg $0x90000  }
0xb1: {  	[dreg:$0x5] =	wrdreg $0x9  }
0xb2: {  	_ =	task.clear_ibuf [dreg:s6], $0x6FFFF;
	_ =	strace $0x90000049  }
0xb3: {  	s29 =	simm.s32 $0x9;
	_ =	strace $0x8000004B  }
0xb4: {  	_ =	swait.ge [sflag:s29], $0x1  }
0xb5: {  	[sflag:s29] =	ssyncadd.s32 $0xFFFFFFFF  }
0xb6: {  	_ =	strace $0x9000004B  }
0xb7: {  	_ =	sfence  }
0xb8: {  	s30 =	sld [smem:$0x0];
	_ =	sdelay $0x2  }
0xb9: {  	s31 =	sshll.u32 s1, $0xD;
	s1 =	sshrl.u32 s1, $0x2  }
0xba: {  	s3 =	sand.u32 $0x4000, s31;
	s1 =	sadd.s32 s1, s30  }
0xbb: {  	s0 =	sor.u32 s3, s0;
	s1 =	sshll.u32 s1, $0x11  }
0xbc: {  	s0 =	sor.u32 s1, s0  }
0xbd: {  	s0 =	sadd.s32 $0x8F2B, s0  }
0xbe: {  	[sflag:s0] =	ssyncadd.remote.s32 $0x1  }
0xbf: {  	_ =	sfence.sel $0xFFFF  }
0xc0: {  	[dreg:$0x0] =	wrdreg $0xFFFFFFFF;
	(pc) =	sbr.abs _section_cstart, $3  }
0xc1: {  	[dreg:$0x1] =	wrdreg $0xFFFFFFFF  }
0xc2: {  	_ =	task.clear_ibuf [dreg:s6], $0x2FFFF;
	_ =	strace $0x9FFFFFFF  }
0xc3: {  	(tm) =	ssettm $0x7FFFFFFF  }
tec
execute0_lowered:
.L_overlay_start_1:
0x0: {  	(tag) =	ssettag $0x1  }
0x1: {  	s5 =	rddreg [dreg:$0x0]  }
0x2: {  	s2 =	rddreg [dreg:$0x1]  }
0x3: {  	s3 =	rddreg [dreg:$0x2]  }
0x4: {  	s0 =	rddreg [dreg:$0x3]  }
0x5: {  	s4 =	simm.s32 $0x0;
	s1 =	stileid.u32;
	s8 =	srdreg.scid  }
0x6: {  	s16 =	simm.s32 $0x80;
	s17 =	simm.s32 $0x5000;
	s18 =	simm.s32 $0x7000  }
0x7: {  	s19 =	simm.s32 $0x1;
	s20 =	simm.s32 $0x2;
	s21 =	simm.s32 $0x2780  }
0x8: {  	s22 =	simm.s32 $0x4F00;
	s23 =	simm.s32 $0x4F80;
	s6 =	smul.u32 $0x9C40, s1  }
0x9: {  	s24 =	simm.s32 $0x0;
	[smem:$0x7FF] =	sst s4;
	s7 =	smul.u32 $0x9E00, s1  }
0xa: {  	s8 =	sand.u32 $0x1, s8;
	s10 =	smul.u32 $0x2800, s1;
	s31 =	sshll.u32 s1, $0x6  }
0xb: {  	_ =	strace $0x8000004A;
	s11 =	smul.u32 $0x9E000, s8;
	p0 =	seq.s32 s8, $0x0  }
0xc: {  	s8 =	ssub.s32 $0x2, s8;
	s9 =	sshrl.u32 s6, $0x3;
	s12 =	sshrl.u32 s7, $0x3  }
0xd: {  	s13 =	sadd.s32 $0x28000, s10;
	s29 =	sshrl.u32 s8, $0x1;
	s14 =	sadd.s32 s6, s2  }
0xe: {  	s6 =	sor.u32 $0x1C03, s31;
	s15 =	sadd.s32 s7, s3;
	s9 =	sadd.s32 s9, s5  }
0xf: {  	s12 =	sadd.s32 s12, s5;
	s13 =	smov.u32 @p0 s10;
	s26 =	sadd.s32 s7, s11  }
0x10: {  	s30 =	ssub.s32 s8, s29;
	s28 =	sshrl.u32 s13, $0x3;
	s10 =	sshrl.u32 s26, $0x3  }
0x11: {  	s7 =	sadd.s32 $0x53C00, s12;
	s12 =	sshrl.u32 s14, $0x3;
	s13 =	simm.s32 $0x3  }
0x12: {  	s14 =	sshrl.u32 s15, $0x3;
	s15 =	simm.s32 $0x2800;
	s11 =	sadd.s32 s28, s5  }
0x13: {  	s10 =	sadd.s32 s10, s5;
	s5 =	sadd.s32 $0x29C00, s9;
	s8 =	sadd.s32 $0x49C00, s11  }
0x14: {  	s9 =	sadd.s32 $0x3FC00, s11;
	s10 =	sadd.s32 $0x67800, s10;
	s11 =	smax.u32 s30, $0x1  }
.LBB2_1:
0x15: {  	[spmem:s12], [sflag:s6] =	dma.local [hbm:s5], $0x1388  }
0x16: {  	_ =	swait.ge [sflag:s13], $0x1388  }
0x17: {  	[sflag:s13] =	ssyncset.done $0x0  }
0x18: {  	[sflag:s13] =	ssyncadd.s32 $0xFFFFEC78  }
0x19: {  	[spmem:s14], [sflag:s6] =	dma.local [hbm:s7], $0x13C0  }
0x1a: {  	_ =	swait.ge [sflag:s13], $0x13C0  }
0x1b: {  	[sflag:s13] =	ssyncset.done $0x0  }
0x1c: {  	[sflag:s13] =	ssyncadd.s32 $0xFFFFEC40  }
0x1d: {  	[tilespmem:s4], [sflag:$0x3] =	stream.linear.gather [hbm4b:s8+s4], $0x2800, $0x38;
	[tilespmem:$0x1CA40] =	vst v63  }
0x1e: {  	_ =	swait.ge [sflag:s13], $0x2800  }
0x1f: {  	[sflag:s13] =	ssyncset.done $0x0  }
0x20: {  	[sflag:s13] =	ssyncadd.s32 $0xFFFFD800  }
0x21: {  	[tilespmem:s15], [sflag:$0x3] =	stream.linear.gather [hbm4b:s9+s4], $0x2800, $0x38;
	[tilespmem:$0x1CA40] =	vst v63  }
0x22: {  	_ =	swait.ge [sflag:s13], $0x2800  }
0x23: {  	[sflag:s13] =	ssyncset.done $0x0  }
0x24: {  	[sflag:s13] =	ssyncadd.s32 $0xFFFFD800  }
0x25: {  	[bflag:$0x0] =	sbarrier.arrive $0xFFFF  }
0x26: {  	[tilespmem:s17], [sflag:$0x1] =	stream.indirect.gather [spmem:s2], $0x40, s4, s16, $0xb8;
	[tilespmem:$0x1CA40] =	vst v63  }
0x27: {  	s25 =	simm.s32 $0x80  }
0x28: {  	[tilespmem:s18], [sflag:$0x2] =	stream.indirect.gather [spmem:s2], $0x40, s25, s16, $0xb8;
	[tilespmem:$0x1CA40] =	vst v63  }
0x29: {  	_ =	swait.ge [sflag:s19], $0x2000  }
0x2a: {  	[sflag:s19] =	ssyncset.done $0x0  }
0x2b: {  	s29 =	simm.s32 $0x2800;
	[sflag:s19] =	ssyncadd.s32 $0xFFFFE000  }
0x2c: {  	[spmem:s3] =	stream.indirect.scatter.add.f32 [tilespmem:s17], [sflag:$0x3], $0x40, s29, s16, $0xb8;
	[tilespmem:$0x1CA40] =	vst v63  }
0x2d: {  	_ =	swait.ge [sflag:s13], $0x2000  }
0x2e: {  	[sflag:s13] =	ssyncset.done $0x0  }
0x2f: {  	s30 =	simm.s32 $0x100;
	[sflag:s13] =	ssyncadd.s32 $0xFFFFE000  }
0x30: {  	[tilespmem:s17], [sflag:$0x1] =	stream.indirect.gather [spmem:s2], $0x40, s30, s16, $0xb8;
	[tilespmem:$0x1CA40] =	vst v63  }
0x31: {  	_ =	swait.ge [sflag:s20], $0x2000  }
0x32: {  	[sflag:s20] =	ssyncset.done $0x0  }
0x33: {  	s31 =	simm.s32 $0x2880;
	[sflag:s20] =	ssyncadd.s32 $0xFFFFE000  }
0x34: {  	[spmem:s3] =	stream.indirect.scatter.add.f32 [tilespmem:s18], [sflag:$0x3], $0x40, s31, s16, $0xb8;
	[tilespmem:$0x1CA40] =	vst v63  }
0x35: {  	_ =	swait.ge [sflag:s13], $0x2000  }
0x36: {  	s26 =	simm.s32 $0x800;
	s25 =	simm.s32 $0x100;
	[sflag:s13] =	ssyncset.done $0x0  }
.LBB2_2:
0x37: {  	s28 =	sadd.s32 $0x80, s25  }
0x38: {  	[sflag:s13] =	ssyncadd.s32 $0xFFFFE000;
	s29 =	smov.u32 s26;
	s30 =	sadd.s32 $0x400, s26  }
0x39: {  	[tilespmem:s18], [sflag:$0x2] =	stream.indirect.gather [spmem:s2], $0x40, s28, s16, $0xb8;
	[tilespmem:$0x1CA40] =	vst v63  }
0x3a: {  	p0 =	sne.s32 s26, $0x9800;
	_ =	swait.ge [sflag:s19], $0x2000  }
0x3b: {  	[sflag:s19] =	ssyncset.done $0x0  }
0x3c: {  	s26 =	sadd.s32 $0x2800, s25;
	[sflag:s19] =	ssyncadd.s32 $0xFFFFE000  }
0x3d: {  	[spmem:s3] =	stream.indirect.scatter.add.f32 [tilespmem:s17], [sflag:$0x3], $0x40, s26, s16, $0xb8;
	[tilespmem:$0x1CA40] =	vst v63  }
0x3e: {  	_ =	swait.ge [sflag:s13], $0x2000  }
0x3f: {  	[sflag:s13] =	ssyncset.done $0x0  }
0x40: {  	s26 =	sadd.s32 $0x100, s25;
	[sflag:s13] =	ssyncadd.s32 $0xFFFFE000  }
0x41: {  	[tilespmem:s17], [sflag:$0x1] =	stream.indirect.gather [spmem:s2], $0x40, s26, s16, $0xb8;
	[tilespmem:$0x1CA40] =	vst v63  }
0x42: {  	_ =	swait.ge [sflag:s20], $0x2000  }
.Ltmp0:
0x43: {  	[sflag:s20] =	ssyncset.done $0x0;
	(pc) =	sbr.rel @p0 .LBB2_2-.Ltmp0, $4  }
0x44: {  	s25 =	sadd.s32 $0x2880, s25;
	[sflag:s20] =	ssyncadd.s32 $0xFFFFE000  }
0x45: {  	[spmem:s3] =	stream.indirect.scatter.add.f32 [tilespmem:s18], [sflag:$0x3], $0x40, s25, s16, $0xb8;
	[tilespmem:$0x1CA40] =	vst v63  }
0x46: {  	_ =	swait.ge [sflag:s13], $0x2000  }
0x47: {  	s26 =	smov.u32 s30;
	s25 =	sshra.s32 s29, $0x2;
	[sflag:s13] =	ssyncset.done $0x0  }
0x48: {  	s26 =	sadd.s32 $0x80, s25;
	[sflag:s13] =	ssyncadd.s32 $0xFFFFE000  }
0x49: {  	[tilespmem:s18], [sflag:$0x2] =	stream.indirect.gather [spmem:s2], $0x40, s26, s16, $0xb8;
	[tilespmem:$0x1CA40] =	vst v63  }
0x4a: {  	_ =	swait.ge [sflag:s19], $0x2000  }
0x4b: {  	[sflag:s19] =	ssyncset.done $0x0  }
0x4c: {  	s29 =	sadd.s32 $0x2800, s25;
	[sflag:s19] =	ssyncadd.s32 $0xFFFFE000  }
0x4d: {  	[spmem:s3] =	stream.indirect.scatter.add.f32 [tilespmem:s17], [sflag:$0x3], $0x40, s29, s16, $0xb8;
	[tilespmem:$0x1CA40] =	vst v63  }
0x4e: {  	_ =	swait.ge [sflag:s13], $0x2000  }
0x4f: {  	[sflag:s13] =	ssyncset.done $0x0  }
0x50: {  	s30 =	sadd.s32 $0x100, s25;
	[sflag:s13] =	ssyncadd.s32 $0xFFFFE000  }
0x51: {  	[tilespmem:s17], [sflag:$0x1] =	stream.indirect.gather [spmem:s2], $0x40, s30, s16, $0xb8;
	[tilespmem:$0x1CA40] =	vst v63  }
0x52: {  	_ =	swait.ge [sflag:s20], $0x2000  }
0x53: {  	[sflag:s20] =	ssyncset.done $0x0  }
0x54: {  	s31 =	sadd.s32 $0x2880, s25;
	[sflag:s20] =	ssyncadd.s32 $0xFFFFE000  }
0x55: {  	[spmem:s3] =	stream.indirect.scatter.add.f32 [tilespmem:s18], [sflag:$0x3], $0x40, s31, s16, $0xb8;
	[tilespmem:$0x1CA40] =	vst v63  }
0x56: {  	_ =	swait.ge [sflag:s13], $0x2000  }
0x57: {  	[sflag:s13] =	ssyncset.done $0x0  }
0x58: {  	[sflag:s13] =	ssyncadd.s32 $0xFFFFE000  }
0x59: {  	[tilespmem:s18], [sflag:$0x2] =	stream.indirect.gather [spmem:s2], $0x40, s21, s16, $0xb8;
	[tilespmem:$0x1CA40] =	vst v63  }
0x5a: {  	_ =	swait.ge [sflag:s19], $0x2000  }
0x5b: {  	[sflag:s19] =	ssyncset.done $0x0  }
0x5c: {  	[sflag:s19] =	ssyncadd.s32 $0xFFFFE000  }
0x5d: {  	[spmem:s3] =	stream.indirect.scatter.add.f32 [tilespmem:s17], [sflag:$0x3], $0x40, s22, s16, $0xb8;
	[tilespmem:$0x1CA40] =	vst v63  }
0x5e: {  	_ =	swait.ge [sflag:s13], $0x2000  }
0x5f: {  	[sflag:s13] =	ssyncset.done $0x0  }
0x60: {  	[sflag:s13] =	ssyncadd.s32 $0xFFFFE000  }
0x61: {  	_ =	swait.ge [sflag:s20], $0x2000  }
0x62: {  	[sflag:s20] =	ssyncset.done $0x0  }
0x63: {  	[sflag:s20] =	ssyncadd.s32 $0xFFFFE000  }
0x64: {  	[spmem:s3] =	stream.indirect.scatter.add.f32 [tilespmem:s18], [sflag:$0x3], $0x40, s23, s16, $0xb8;
	[tilespmem:$0x1CA40] =	vst v63  }
0x65: {  	_ =	swait.ge [sflag:s13], $0x2000  }
0x66: {  	s24 =	sadd.s32 $0x1, s24;
	[sflag:s13] =	ssyncset.done $0x0  }
0x67: {  	p0 =	sne.s32 s24, s11;
	[sflag:s13] =	ssyncadd.s32 $0xFFFFE000  }
.Ltmp1:
0x68: {  	[bflag:$0x0] =	sbarrier.arrive $0xFFFF;
	(pc) =	sbr.rel @p0 .LBB2_1-.Ltmp1, $4  }
0x69: {  	[hbm:s10], [sflag:s6] =	dma.local [spmem:s14], $0x13C0  }
0x6a: {  	_ =	swait.ge [sflag:s13], $0x13C0  }
0x6b: {  	[sflag:s13] =	ssyncset.done $0x0  }
0x6c: {  	[sflag:s13] =	ssyncadd.s32 $0xFFFFEC40  }
0x6d: {  	_ =	sfence.sel $0x180000  }
0x6e: {  	[bflag:$0x0] =	sbarrier.arrive $0xFFFF  }
0x6f: {  	p0 =	sne.s32 s1, $0x0;
	_ =	strace $0x9000004A  }
0x70: {  	s0 =	sadd.s32 @!p0 $0x100000, s0;
	[bflag:$0x2] =	sbarrier.arrive $0xFFFF  }
0x71: {  	[sflag:s0] =	ssyncadd.tile.s32 @!p0 $0x1;
	_ =	shalt  }
.Lfunc_end2:
_tile_overlayer_lowered:
.L_overlay_start_2:
0x72: {  	(tag) =	ssettag $0x2  }
0x73: {  	s0 =	rddreg [dreg:$0x0];
	s2 =	stileid.u32  }
0x74: {  	s1 =	rddreg [dreg:$0x1];
	p0 =	sne.s32 s2, $0x0  }
0x75: {  	s3 =	rddreg [dreg:$0x2];
	[bflag:$0x3] =	sbarrier.arrive $0xFFFF;
	s2 =	simm.s32 @!p0 $0x1C03  }
0x76: {  	[timem:s3], [sflag:s2] =	dma.local @!p0 [hbm:s0], s1  }
0x77: {  	s0 =	simm.s32 @!p0 $0x3  }
0x78: {  	_ =	swait.ge @!p0 [sflag:s0], s1  }
0x79: {  	s1 =	ssub.s32 @!p0 $0x0, s1;
	[sflag:s0] =	ssyncset.done @!p0 $0x0  }
0x7a: {  	[sflag:s0] =	ssyncadd.s32 @!p0 s1  }
0x7b: {  	[bflag:$0x3] =	sbarrier.arrive $0xFFFF  }
0x7c: {  	_ =	shalt  }

</sc_bundles>
